<compile_context>
chip_gen: v7x
topology: tpu7x:2x2x1
jax: 0.10.2.dev20260603
libtpu: 0.0.44.dev20260713+nightly
codegen_flags: <defaults>
</compile_context>

<pallas_src>
import functools

import jax
import jax.numpy as jnp
from jax import lax
from jax.experimental import pallas as pl
from jax.experimental.pallas import tpu as pltpu
from jax.experimental.pallas import tpu_sc as plsc

E = 8
SHARED = 1
TOPK = 2
D = 1024
DFF = 2048
NR = E - SHARED

T = 2048
M = 256
NTR = 22
NTPAD = 32
LPR = NTR * M
NP = TOPK * T


def _router_body(x_ref, rw_ref, dst_ref, wv_ref, meta_ref):
    logits = lax.dot_general(
        x_ref[...], rw_ref[...], (((1,), (1,)), ((), ())),
        preferred_element_type=jnp.float32)
    m = jnp.max(logits, axis=-1, keepdims=True)
    ex = jnp.exp(logits - m)
    probs = ex / jnp.sum(ex, axis=-1, keepdims=True)

    col = lax.broadcasted_iota(jnp.int32, probs.shape, 1)
    v1 = jnp.max(probs, axis=-1, keepdims=True)
    i1 = jnp.min(jnp.where(probs == v1, col, NR), axis=-1, keepdims=True)
    pm = jnp.where(col == i1, -jnp.inf, probs)
    v2 = jnp.max(pm, axis=-1, keepdims=True)
    i2 = jnp.min(jnp.where(pm == v2, col, NR), axis=-1, keepdims=True)
    denom = v1 + v2 + 1e-9
    wv_ref[...] = jnp.concatenate([v1 / denom, v2 / denom], axis=1)

    a0 = (col == i1).astype(jnp.float32)
    a1 = (col == i2).astype(jnp.float32)
    s = a0 + a1
    r_io = lax.broadcasted_iota(jnp.int32, (T, T), 0)
    c_io = lax.broadcasted_iota(jnp.int32, (T, T), 1)
    tri = (c_io < r_io).astype(jnp.float32)
    xc = lax.dot_general(tri, s, (((1,), (0,)), ((), ())),
                         preferred_element_type=jnp.float32)
    counts = jnp.sum(s, axis=0, keepdims=True)

    nt = jnp.floor((counts + (M - 1)) * (1.0 / M))
    e_r = lax.broadcasted_iota(jnp.int32, (NR, NR), 0)
    e_c = lax.broadcasted_iota(jnp.int32, (NR, NR), 1)
    ltri = (e_c <= e_r).astype(jnp.float32)
    cumi = lax.dot_general(nt, ltri, (((1,), (1,)), ((), ())),
                           preferred_element_type=jnp.float32)
    cume = cumi - nt
    pb = M * cume
    dst0 = jnp.sum(a0 * (pb + xc), axis=1, keepdims=True)
    dst1 = jnp.sum(a1 * (pb + xc), axis=1, keepdims=True)
    dst_ref[...] = jnp.concatenate([dst0, dst1], axis=1).astype(jnp.int32)

    j_io = lax.broadcasted_iota(jnp.int32, (NTPAD, NR), 0)
    total_i = jnp.sum(nt, axis=1, keepdims=True).astype(jnp.int32)
    cumi_i = cumi.astype(jnp.int32)
    j_col = lax.broadcasted_iota(jnp.int32, (NTPAD, 1), 0)
    te_full = jnp.minimum(
        jnp.sum((j_io >= cumi_i).astype(jnp.int32), axis=1,
                keepdims=True) + SHARED, E - 1)
    tv_full = (j_col < total_i).astype(jnp.int32)
    meta_ref[...] = jnp.concatenate([te_full, tv_full], axis=1)


def _router(flat, router_w):
    return pl.pallas_call(
        _router_body,
        out_shape=[
            jax.ShapeDtypeStruct((T, 2), jnp.int32),
            jax.ShapeDtypeStruct((T, 2), jnp.float32),
            jax.ShapeDtypeStruct((NTPAD, 2), jnp.int32),
        ],
    )(flat, router_w)


def _sc_info():
    info = plsc.get_sparse_core_info()
    return info.num_cores, info.num_subcores


def _scatter_kernel_fn(dst_hbm, wv_hbm, tid_hbm, sw_hbm,
                       dst_v, wv_v, tid_v, sw_v):
    nc, _ = _sc_info()
    wid = lax.axis_index("s") * nc + lax.axis_index("c")

    @pl.when(wid == 0)
    def _():
        pltpu.sync_copy(dst_hbm, dst_v)
        pltpu.sync_copy(wv_hbm, wv_v)
        lane = lax.iota(jnp.int32, 16)
        half = lax.shift_right_logical(lane, 1)
        zeros_f = jnp.zeros((16,), jnp.float32)

        def init_pad(i, carry):
            tid_v[pl.ds(i * 16, 16)] = jnp.bitwise_and(lane + i * 16, T - 1)
            sw_v[pl.ds(i * 16, 16)] = zeros_f
            return carry

        lax.fori_loop(0, LPR // 16, init_pad, 0)

        def scat_body(i, carry):
            base = i * 16
            idx = dst_v[pl.ds(base, 16)]
            vals = wv_v[pl.ds(base, 16)]
            toks = half + i * 8
            plsc.store_scatter(tid_v, [idx], toks)
            plsc.store_scatter(sw_v, [idx], vals)
            return carry

        lax.fori_loop(0, NP // 16, scat_body, 0)
        pltpu.sync_copy(tid_v, tid_hbm)
        pltpu.sync_copy(sw_v, sw_hbm)


def _sc_scatter(dst, wv):
    mesh = plsc.VectorSubcoreMesh(core_axis_name="c", subcore_axis_name="s")
    k = functools.partial(
        pl.kernel, mesh=mesh,
        compiler_params=pltpu.CompilerParams(needs_layout_passes=False),
        out_type=[
            jax.ShapeDtypeStruct((LPR,), jnp.int32),
            jax.ShapeDtypeStruct((LPR,), jnp.float32),
        ],
        scratch_types=[
            pltpu.VMEM((NP,), jnp.int32),
            pltpu.VMEM((NP,), jnp.float32),
            pltpu.VMEM((LPR,), jnp.int32),
            pltpu.VMEM((LPR,), jnp.float32),
        ],
    )(_scatter_kernel_fn)
    return k(dst.reshape(NP), wv.reshape(NP))


def _row_gather_body(src_hbm, idx_hbm, out_hbm, idx_v, rows_a, rows_b, sem,
                     *, per_w, nch):
    nc, ns = _sc_info()
    wid = lax.axis_index("s") * nc + lax.axis_index("c")
    chunk = per_w // nch
    base = wid * per_w
    pltpu.sync_copy(idx_hbm.at[pl.ds(base, per_w)], idx_v)
    bufs = (rows_a, rows_b)
    cps = []
    for c in range(nch):
        if c >= 2:
            cps[c - 2].wait()
            pltpu.sync_copy(bufs[(c - 2) % 2],
                            out_hbm.at[pl.ds(base + (c - 2) * chunk, chunk)])
        cps.append(pltpu.async_copy(
            src_hbm.at[idx_v.at[pl.ds(c * chunk, chunk)]], bufs[c % 2], sem))
    for c in range(max(0, nch - 2), nch):
        cps[c].wait()
        pltpu.sync_copy(bufs[c % 2],
                        out_hbm.at[pl.ds(base + c * chunk, chunk)])


def _sc_row_gather(src, idx, n_out, nch):
    mesh = plsc.VectorSubcoreMesh(core_axis_name="c", subcore_axis_name="s")
    nc, ns = _sc_info()
    per_w = n_out // (nc * ns)
    chunk = per_w // nch
    body = functools.partial(_row_gather_body, per_w=per_w, nch=nch)
    k = functools.partial(
        pl.kernel, mesh=mesh,
        out_type=jax.ShapeDtypeStruct((n_out, D), jnp.float32),
        scratch_types=[
            pltpu.VMEM((per_w,), jnp.int32),
            pltpu.VMEM((chunk, D), jnp.float32),
            pltpu.VMEM((chunk, D), jnp.float32),
            pltpu.SemaphoreType.DMA,
        ],
    )(body)
    return k(src, idx)


def _shared_body(x_ref, up_ref, gate_ref, down_ref, out_ref):
    xb = x_ref[...].astype(jnp.bfloat16)
    u = lax.dot_general(xb, up_ref[...], (((1,), (1,)), ((), ())),
                        preferred_element_type=jnp.float32)
    g = lax.dot_general(xb, gate_ref[...], (((1,), (1,)), ((), ())),
                        preferred_element_type=jnp.float32)
    h = (g * jax.nn.sigmoid(g) * u).astype(jnp.bfloat16)
    out_ref[...] = lax.dot_general(h, down_ref[...], (((1,), (1,)), ((), ())),
                                   preferred_element_type=jnp.float32)


def _shared_ffn(flat, up0, gate0, down0):
    MS = 512
    return pl.pallas_call(
        _shared_body,
        grid=(T // MS,),
        in_specs=[
            pl.BlockSpec((MS, D), lambda t: (t, 0)),
            pl.BlockSpec((DFF, D), lambda t: (0, 0)),
            pl.BlockSpec((DFF, D), lambda t: (0, 0)),
            pl.BlockSpec((D, DFF), lambda t: (0, 0)),
        ],
        out_specs=pl.BlockSpec((MS, D), lambda t: (t, 0)),
        out_shape=jax.ShapeDtypeStruct((T, D), jnp.float32),
    )(flat, up0, gate0, down0)


def _gffn_body(te_ref, tv_ref, sw_ref, xs_ref, up_ref, gate_ref, down_ref,
               os_ref):
    i = pl.program_id(0)

    @pl.when(tv_ref[i] == 1)
    def _():
        xb = xs_ref[...].astype(jnp.bfloat16)
        u = lax.dot_general(xb, up_ref[0], (((1,), (1,)), ((), ())),
                            preferred_element_type=jnp.float32)
        g = lax.dot_general(xb, gate_ref[0], (((1,), (1,)), ((), ())),
                            preferred_element_type=jnp.float32)
        h = g * jax.nn.sigmoid(g) * u
        h = (h * sw_ref[0, 0][:, None]).astype(jnp.bfloat16)
        os_ref[...] = lax.dot_general(h, down_ref[0], (((1,), (1,)), ((), ())),
                                      preferred_element_type=jnp.float32)


def _grouped_ffn(te, tv, sw, xs, up, gate, down):
    grid_spec = pltpu.PrefetchScalarGridSpec(
        num_scalar_prefetch=2,
        grid=(NTR,),
        in_specs=[
            pl.BlockSpec((1, 1, M), lambda i, te, tv: (i, 0, 0)),
            pl.BlockSpec((M, D), lambda i, te, tv: (i, 0)),
            pl.BlockSpec((1, DFF, D), lambda i, te, tv: (te[i], 0, 0)),
            pl.BlockSpec((1, DFF, D), lambda i, te, tv: (te[i], 0, 0)),
            pl.BlockSpec((1, D, DFF), lambda i, te, tv: (te[i], 0, 0)),
        ],
        out_specs=pl.BlockSpec((M, D), lambda i, te, tv: (i, 0)),
    )
    return pl.pallas_call(
        _gffn_body,
        grid_spec=grid_spec,
        out_shape=jax.ShapeDtypeStruct((LPR, D), jnp.float32),
        compiler_params=pltpu.CompilerParams(
            dimension_semantics=("arbitrary",),
        ),
    )(te, tv, sw.reshape(NTR, 1, M), xs, up, gate, down)


def _combine_body(os_ref, yp_ref, out_ref):
    out_ref[...] = (os_ref[...] + yp_ref[:, :D] + yp_ref[:, D:])


def _combine(os, yp2):
    BT = 512
    return pl.pallas_call(
        _combine_body,
        grid=(T // BT,),
        in_specs=[
            pl.BlockSpec((BT, D), lambda t: (t, 0)),
            pl.BlockSpec((BT, 2 * D), lambda t: (t, 0)),
        ],
        out_specs=pl.BlockSpec((BT, D), lambda t: (t, 0)),
        out_shape=jax.ShapeDtypeStruct((T, D), jnp.float32),
    )(os, yp2)


def kernel(x, up, gate, down, router_w):
    orig_shape = x.shape
    flat = x.reshape(-1, D)
    upb = up.astype(jnp.bfloat16)
    gateb = gate.astype(jnp.bfloat16)
    downb = down.astype(jnp.bfloat16)
    dst, wv, meta = _router(flat, router_w)
    te = meta[:, 0]
    tv = meta[:, 1]
    tid, sw = _sc_scatter(dst, wv)
    osh = _shared_ffn(flat, upb[0], gateb[0], downb[0])
    xs = _sc_row_gather(flat, tid, LPR, 11)
    osr = _grouped_ffn(te, tv, sw, xs, upb, gateb, downb)
    yp = _sc_row_gather(osr, dst.reshape(NP), NP, 4)
    out = _combine(osh, yp.reshape(T, 2 * D))
    return out.reshape(orig_shape)

# --- scband reference (transcript-rebuilt; emitter-appended) ---
"""Pipeline reference for scband-sparse-mo-elayer-66546223284321 (READ-ONLY COPY).

The authoritative reference and input builder live on the scoring server;
editing this copy changes nothing except your own understanding.
"""

import jax, jax.numpy as jnp
import numpy as np

E = 8
SHARED = 1
TOPK = 2
D = 1024
DFF = 2048


def setup_inputs(seed: int = 0) -> dict:
    key = jax.random.key(seed)
    k_x, k_up, k_gate, k_down, k_router = jax.random.split(key, 5)
    x = jax.random.normal(k_x, (1, 2048, D), dtype=jnp.float32)
    # per-expert SwiGLU FFN weights: up[dff,d], gate[dff,d], down[d,dff]
    up = jax.random.normal(k_up, (E, DFF, D), dtype=jnp.float32) * 0.02
    gate = jax.random.normal(k_gate, (E, DFF, D), dtype=jnp.float32) * 0.02
    down = jax.random.normal(k_down, (E, D, DFF), dtype=jnp.float32) * 0.02
    # router over routed (non-shared) experts only
    router_w = jax.random.normal(k_router, (E - SHARED, D), dtype=jnp.float32) * 0.02
    return {"x": x, "up": up, "gate": gate, "down": down, "router_w": router_w}


def _expert_apply(flat, up_w, gate_w, down_w):
    u = flat @ up_w.T
    g = flat @ gate_w.T
    hidden = jax.nn.silu(g) * u
    return hidden @ down_w.T


def reference(x, up, gate, down, router_w):
    orig_shape = x.shape
    flat = x.reshape(-1, D)
    out = jnp.zeros_like(flat)
    # shared (always-on) experts
    for i in range(SHARED):
        out = out + _expert_apply(flat, up[i], gate[i], down[i])
    out = out / max(1, SHARED)
    n_routed = E - SHARED
    logits = flat @ router_w.T
    probs = jax.nn.softmax(logits, axis=-1)
    k = min(TOPK, n_routed)
    top_vals, top_idx = jax.lax.top_k(probs, k)
    top_vals = top_vals / (jnp.sum(top_vals, axis=-1, keepdims=True) + 1e-09)
    routed_out = jnp.zeros_like(flat)
    for e in range(n_routed):
        # per-token gate weight for expert e summed over slots (0 if not selected)
        w_e = jnp.sum(jnp.where(top_idx == e, top_vals, 0.0), axis=-1)
        eo = _expert_apply(flat, up[SHARED + e], gate[SHARED + e], down[SHARED + e])
        routed_out = routed_out + w_e[:, None] * eo
    out = out + routed_out
    return out.reshape(orig_shape)

if __name__ == "__main__":
    import jax
    _d = setup_inputs()
    print(jax.jit(kernel)(*tuple(_d.values())))

</pallas_src>

<mosaic_0001>
#map = affine_map<(d0, d1) -> (0, 0)>
#map1 = affine_map<(d0, d1) -> (0)>
module attributes {stable_mosaic.version = 14 : i64} {
  func.func @_row_gather_body(%arg0: i32, %arg1: i32, %arg2: memref<2048x1024xf32, #tpu.memory_space<hbm>>, %arg3: memref<5632xi32, #tpu.memory_space<hbm>>, %arg4: memref<5632x1024xf32, #tpu.memory_space<hbm>>, %arg5: memref<176xi32, #tpu.memory_space<vmem>>, %arg6: memref<16x1024xf32, #tpu.memory_space<vmem>>, %arg7: memref<16x1024xf32, #tpu.memory_space<vmem>>, %arg8: memref<!tpu.dma_semaphore, #tpu.memory_space<semaphore_mem>>) attributes {dimension_semantics = [#tpu.dimension_semantics<core_parallel>, #tpu.dimension_semantics<subcore_parallel>], iteration_bounds = array<i64: 2, 16>, scalar_prefetch = 0 : i64, scratch_operands = 4 : i64, tpu.core_type = #tpu.core_type<sc_vector_subcore>, window_params = [{transform_indices = #map}, {transform_indices = #map1}, {transform_indices = #map}]} {
    %mul3A = arith.constant 2 : i32
    %mul3A_0 = arith.muli %arg1, %mul3A : i32
    %add3A = arith.addi %mul3A_0, %arg0 : i32
    %mul3A_1 = arith.constant 176 : i32
    %mul3A_2 = arith.muli %add3A, %mul3A_1 : i32
    "tpu.region"() ({
      %run_scoped3A = tpu.sem_alloc : memref<!tpu.dma_semaphore, #tpu.memory_space<semaphore_mem>>
      %dma_start3A_133 = tpu.memref_slice %arg3[%mul3A_2] : memref<5632xi32, #tpu.memory_space<hbm>> -> memref<176xi32, #tpu.memory_space<hbm>>
      %dma_start3A_134 = tpu.memref_slice %arg3[%mul3A_2] : memref<5632xi32, #tpu.memory_space<hbm>> -> memref<176xi32, #tpu.memory_space<hbm>>
      tpu.enqueue_dma source(%dma_start3A_134 : memref<176xi32, #tpu.memory_space<hbm>>) target(%arg5 : memref<176xi32, #tpu.memory_space<vmem>>) target_semaphore(%run_scoped3A : memref<!tpu.dma_semaphore, #tpu.memory_space<semaphore_mem>>)
      %dma_wait3A_135 = tpu.memref_slice %arg3[%mul3A_2] : memref<5632xi32, #tpu.memory_space<hbm>> -> memref<176xi32, #tpu.memory_space<hbm>>
      %dma_wait3A_136 = tpu.memref_slice %arg3[%mul3A_2] : memref<5632xi32, #tpu.memory_space<hbm>> -> memref<176xi32, #tpu.memory_space<hbm>>
      tpu.wait_dma2 semaphore(%run_scoped3A : memref<!tpu.dma_semaphore, #tpu.memory_space<semaphore_mem>>) src(%dma_wait3A_136 : memref<176xi32, #tpu.memory_space<hbm>>) dst(%arg5 : memref<176xi32, #tpu.memory_space<vmem>>)
      tpu.yield
    }) : () -> ()
    %dma_start3A = arith.constant 0 : i32
    %dma_start3A_3 = tpu.memref_slice %arg5[%dma_start3A] : memref<176xi32, #tpu.memory_space<vmem>> -> memref<16xi32, #tpu.memory_space<vmem>>
    %dma_start3A_4 = arith.constant 0 : i32
    %dma_start3A_5 = arith.constant 0 : i32
    %dma_start3A_6 = tpu.memref_slice %arg2[%dma_start3A_4, %dma_start3A_5] : memref<2048x1024xf32, #tpu.memory_space<hbm>> -> memref<2048x1024xf32, #tpu.memory_space<hbm>>
    tpu.enqueue_indirect_dma source(%dma_start3A_6 : memref<2048x1024xf32, #tpu.memory_space<hbm>>) target(%arg6 : memref<16x1024xf32, #tpu.memory_space<vmem>>) offsets(%dma_start3A_3 : memref<16xi32, #tpu.memory_space<vmem>>) semaphore(%arg8 : memref<!tpu.dma_semaphore, #tpu.memory_space<semaphore_mem>>)
    %dma_start3A_7 = arith.constant 16 : i32
    %dma_start3A_8 = tpu.memref_slice %arg5[%dma_start3A_7] : memref<176xi32, #tpu.memory_space<vmem>> -> memref<16xi32, #tpu.memory_space<vmem>>
    %dma_start3A_9 = arith.constant 0 : i32
    %dma_start3A_10 = arith.constant 0 : i32
    %dma_start3A_11 = tpu.memref_slice %arg2[%dma_start3A_9, %dma_start3A_10] : memref<2048x1024xf32, #tpu.memory_space<hbm>> -> memref<2048x1024xf32, #tpu.memory_space<hbm>>
    tpu.enqueue_indirect_dma source(%dma_start3A_11 : memref<2048x1024xf32, #tpu.memory_space<hbm>>) target(%arg7 : memref<16x1024xf32, #tpu.memory_space<vmem>>) offsets(%dma_start3A_8 : memref<16xi32, #tpu.memory_space<vmem>>) semaphore(%arg8 : memref<!tpu.dma_semaphore, #tpu.memory_space<semaphore_mem>>)
    %dma_wait3A = arith.constant 0 : i32
    %dma_wait3A_12 = tpu.memref_slice %arg5[%dma_wait3A] : memref<176xi32, #tpu.memory_space<vmem>> -> memref<16xi32, #tpu.memory_space<vmem>>
    %dma_wait3A_13 = arith.constant 0 : i32
    %dma_wait3A_14 = arith.constant 0 : i32
    %dma_wait3A_15 = tpu.memref_slice %arg2[%dma_wait3A_13, %dma_wait3A_14] : memref<2048x1024xf32, #tpu.memory_space<hbm>> -> memref<2048x1024xf32, #tpu.memory_space<hbm>>
    tpu.wait_indirect_dma semaphore(%arg8 : memref<!tpu.dma_semaphore, #tpu.memory_space<semaphore_mem>>) src(%dma_wait3A_15 : memref<2048x1024xf32, #tpu.memory_space<hbm>>) dst(%arg6 : memref<16x1024xf32, #tpu.memory_space<vmem>>)
    %add3A_16 = arith.constant 0 : i32
    %add3A_17 = arith.addi %mul3A_2, %add3A_16 : i32
    "tpu.region"() ({
      %run_scoped3A = tpu.sem_alloc : memref<!tpu.dma_semaphore, #tpu.memory_space<semaphore_mem>>
      %dma_start3A_133 = arith.constant 0 : i32
      %dma_start3A_134 = tpu.memref_slice %arg4[%add3A_17, %dma_start3A_133] : memref<5632x1024xf32, #tpu.memory_space<hbm>> -> memref<16x1024xf32, #tpu.memory_space<hbm>>
      %dma_start3A_135 = arith.constant 0 : i32
      %dma_start3A_136 = tpu.memref_slice %arg4[%add3A_17, %dma_start3A_135] : memref<5632x1024xf32, #tpu.memory_space<hbm>> -> memref<16x1024xf32, #tpu.memory_space<hbm>>
      tpu.enqueue_dma source(%arg6 : memref<16x1024xf32, #tpu.memory_space<vmem>>) target(%dma_start3A_136 : memref<16x1024xf32, #tpu.memory_space<hbm>>) target_semaphore(%run_scoped3A : memref<!tpu.dma_semaphore, #tpu.memory_space<semaphore_mem>>)
      %dma_wait3A_137 = arith.constant 0 : i32
      %dma_wait3A_138 = tpu.memref_slice %arg4[%add3A_17, %dma_wait3A_137] : memref<5632x1024xf32, #tpu.memory_space<hbm>> -> memref<16x1024xf32, #tpu.memory_space<hbm>>
      %dma_wait3A_139 = arith.constant 0 : i32
      %dma_wait3A_140 = tpu.memref_slice %arg4[%add3A_17, %dma_wait3A_139] : memref<5632x1024xf32, #tpu.memory_space<hbm>> -> memref<16x1024xf32, #tpu.memory_space<hbm>>
      tpu.wait_dma2 semaphore(%run_scoped3A : memref<!tpu.dma_semaphore, #tpu.memory_space<semaphore_mem>>) src(%arg6 : memref<16x1024xf32, #tpu.memory_space<vmem>>) dst(%dma_wait3A_140 : memref<16x1024xf32, #tpu.memory_space<hbm>>)
      tpu.yield
    }) : () -> ()
    %dma_start3A_18 = arith.constant 32 : i32
    %dma_start3A_19 = tpu.memref_slice %arg5[%dma_start3A_18] : memref<176xi32, #tpu.memory_space<vmem>> -> memref<16xi32, #tpu.memory_space<vmem>>
    %dma_start3A_20 = arith.constant 0 : i32
    %dma_start3A_21 = arith.constant 0 : i32
    %dma_start3A_22 = tpu.memref_slice %arg2[%dma_start3A_20, %dma_start3A_21] : memref<2048x1024xf32, #tpu.memory_space<hbm>> -> memref<2048x1024xf32, #tpu.memory_space<hbm>>
    tpu.enqueue_indirect_dma source(%dma_start3A_22 : memref<2048x1024xf32, #tpu.memory_space<hbm>>) target(%arg6 : memref<16x1024xf32, #tpu.memory_space<vmem>>) offsets(%dma_start3A_19 : memref<16xi32, #tpu.memory_space<vmem>>) semaphore(%arg8 : memref<!tpu.dma_semaphore, #tpu.memory_space<semaphore_mem>>)
    %dma_wait3A_23 = arith.constant 16 : i32
    %dma_wait3A_24 = tpu.memref_slice %arg5[%dma_wait3A_23] : memref<176xi32, #tpu.memory_space<vmem>> -> memref<16xi32, #tpu.memory_space<vmem>>
    %dma_wait3A_25 = arith.constant 0 : i32
    %dma_wait3A_26 = arith.constant 0 : i32
    %dma_wait3A_27 = tpu.memref_slice %arg2[%dma_wait3A_25, %dma_wait3A_26] : memref<2048x1024xf32, #tpu.memory_space<hbm>> -> memref<2048x1024xf32, #tpu.memory_space<hbm>>
    tpu.wait_indirect_dma semaphore(%arg8 : memref<!tpu.dma_semaphore, #tpu.memory_space<semaphore_mem>>) src(%dma_wait3A_27 : memref<2048x1024xf32, #tpu.memory_space<hbm>>) dst(%arg7 : memref<16x1024xf32, #tpu.memory_space<vmem>>)
    %add3A_28 = arith.constant 16 : i32
    %add3A_29 = arith.addi %mul3A_2, %add3A_28 : i32
    "tpu.region"() ({
      %run_scoped3A = tpu.sem_alloc : memref<!tpu.dma_semaphore, #tpu.memory_space<semaphore_mem>>
      %dma_start3A_133 = arith.constant 0 : i32
      %dma_start3A_134 = tpu.memref_slice %arg4[%add3A_29, %dma_start3A_133] : memref<5632x1024xf32, #tpu.memory_space<hbm>> -> memref<16x1024xf32, #tpu.memory_space<hbm>>
      %dma_start3A_135 = arith.constant 0 : i32
      %dma_start3A_136 = tpu.memref_slice %arg4[%add3A_29, %dma_start3A_135] : memref<5632x1024xf32, #tpu.memory_space<hbm>> -> memref<16x1024xf32, #tpu.memory_space<hbm>>
      tpu.enqueue_dma source(%arg7 : memref<16x1024xf32, #tpu.memory_space<vmem>>) target(%dma_start3A_136 : memref<16x1024xf32, #tpu.memory_space<hbm>>) target_semaphore(%run_scoped3A : memref<!tpu.dma_semaphore, #tpu.memory_space<semaphore_mem>>)
      %dma_wait3A_137 = arith.constant 0 : i32
      %dma_wait3A_138 = tpu.memref_slice %arg4[%add3A_29, %dma_wait3A_137] : memref<5632x1024xf32, #tpu.memory_space<hbm>> -> memref<16x1024xf32, #tpu.memory_space<hbm>>
      %dma_wait3A_139 = arith.constant 0 : i32
      %dma_wait3A_140 = tpu.memref_slice %arg4[%add3A_29, %dma_wait3A_139] : memref<5632x1024xf32, #tpu.memory_space<hbm>> -> memref<16x1024xf32, #tpu.memory_space<hbm>>
      tpu.wait_dma2 semaphore(%run_scoped3A : memref<!tpu.dma_semaphore, #tpu.memory_space<semaphore_mem>>) src(%arg7 : memref<16x1024xf32, #tpu.memory_space<vmem>>) dst(%dma_wait3A_140 : memref<16x1024xf32, #tpu.memory_space<hbm>>)
      tpu.yield
    }) : () -> ()
    %dma_start3A_30 = arith.constant 48 : i32
    %dma_start3A_31 = tpu.memref_slice %arg5[%dma_start3A_30] : memref<176xi32, #tpu.memory_space<vmem>> -> memref<16xi32, #tpu.memory_space<vmem>>
    %dma_start3A_32 = arith.constant 0 : i32
    %dma_start3A_33 = arith.constant 0 : i32
    %dma_start3A_34 = tpu.memref_slice %arg2[%dma_start3A_32, %dma_start3A_33] : memref<2048x1024xf32, #tpu.memory_space<hbm>> -> memref<2048x1024xf32, #tpu.memory_space<hbm>>
    tpu.enqueue_indirect_dma source(%dma_start3A_34 : memref<2048x1024xf32, #tpu.memory_space<hbm>>) target(%arg7 : memref<16x1024xf32, #tpu.memory_space<vmem>>) offsets(%dma_start3A_31 : memref<16xi32, #tpu.memory_space<vmem>>) semaphore(%arg8 : memref<!tpu.dma_semaphore, #tpu.memory_space<semaphore_mem>>)
    %dma_wait3A_35 = arith.constant 32 : i32
    %dma_wait3A_36 = tpu.memref_slice %arg5[%dma_wait3A_35] : memref<176xi32, #tpu.memory_space<vmem>> -> memref<16xi32, #tpu.memory_space<vmem>>
    %dma_wait3A_37 = arith.constant 0 : i32
    %dma_wait3A_38 = arith.constant 0 : i32
    %dma_wait3A_39 = tpu.memref_slice %arg2[%dma_wait3A_37, %dma_wait3A_38] : memref<2048x1024xf32, #tpu.memory_space<hbm>> -> memref<2048x1024xf32, #tpu.memory_space<hbm>>
    tpu.wait_indirect_dma semaphore(%arg8 : memref<!tpu.dma_semaphore, #tpu.memory_space<semaphore_mem>>) src(%dma_wait3A_39 : memref<2048x1024xf32, #tpu.memory_space<hbm>>) dst(%arg6 : memref<16x1024xf32, #tpu.memory_space<vmem>>)
    %add3A_40 = arith.constant 32 : i32
    %add3A_41 = arith.addi %mul3A_2, %add3A_40 : i32
    "tpu.region"() ({
      %run_scoped3A = tpu.sem_alloc : memref<!tpu.dma_semaphore, #tpu.memory_space<semaphore_mem>>
      %dma_start3A_133 = arith.constant 0 : i32
      %dma_start3A_134 = tpu.memref_slice %arg4[%add3A_41, %dma_start3A_133] : memref<5632x1024xf32, #tpu.memory_space<hbm>> -> memref<16x1024xf32, #tpu.memory_space<hbm>>
      %dma_start3A_135 = arith.constant 0 : i32
      %dma_start3A_136 = tpu.memref_slice %arg4[%add3A_41, %dma_start3A_135] : memref<5632x1024xf32, #tpu.memory_space<hbm>> -> memref<16x1024xf32, #tpu.memory_space<hbm>>
      tpu.enqueue_dma source(%arg6 : memref<16x1024xf32, #tpu.memory_space<vmem>>) target(%dma_start3A_136 : memref<16x1024xf32, #tpu.memory_space<hbm>>) target_semaphore(%run_scoped3A : memref<!tpu.dma_semaphore, #tpu.memory_space<semaphore_mem>>)
      %dma_wait3A_137 = arith.constant 0 : i32
      %dma_wait3A_138 = tpu.memref_slice %arg4[%add3A_41, %dma_wait3A_137] : memref<5632x1024xf32, #tpu.memory_space<hbm>> -> memref<16x1024xf32, #tpu.memory_space<hbm>>
      %dma_wait3A_139 = arith.constant 0 : i32
      %dma_wait3A_140 = tpu.memref_slice %arg4[%add3A_41, %dma_wait3A_139] : memref<5632x1024xf32, #tpu.memory_space<hbm>> -> memref<16x1024xf32, #tpu.memory_space<hbm>>
      tpu.wait_dma2 semaphore(%run_scoped3A : memref<!tpu.dma_semaphore, #tpu.memory_space<semaphore_mem>>) src(%arg6 : memref<16x1024xf32, #tpu.memory_space<vmem>>) dst(%dma_wait3A_140 : memref<16x1024xf32, #tpu.memory_space<hbm>>)
      tpu.yield
    }) : () -> ()
    %dma_start3A_42 = arith.constant 64 : i32
    %dma_start3A_43 = tpu.memref_slice %arg5[%dma_start3A_42] : memref<176xi32, #tpu.memory_space<vmem>> -> memref<16xi32, #tpu.memory_space<vmem>>
    %dma_start3A_44 = arith.constant 0 : i32
    %dma_start3A_45 = arith.constant 0 : i32
    %dma_start3A_46 = tpu.memref_slice %arg2[%dma_start3A_44, %dma_start3A_45] : memref<2048x1024xf32, #tpu.memory_space<hbm>> -> memref<2048x1024xf32, #tpu.memory_space<hbm>>
    tpu.enqueue_indirect_dma source(%dma_start3A_46 : memref<2048x1024xf32, #tpu.memory_space<hbm>>) target(%arg6 : memref<16x1024xf32, #tpu.memory_space<vmem>>) offsets(%dma_start3A_43 : memref<16xi32, #tpu.memory_space<vmem>>) semaphore(%arg8 : memref<!tpu.dma_semaphore, #tpu.memory_space<semaphore_mem>>)
    %dma_wait3A_47 = arith.constant 48 : i32
    %dma_wait3A_48 = tpu.memref_slice %arg5[%dma_wait3A_47] : memref<176xi32, #tpu.memory_space<vmem>> -> memref<16xi32, #tpu.memory_space<vmem>>
    %dma_wait3A_49 = arith.constant 0 : i32
    %dma_wait3A_50 = arith.constant 0 : i32
    %dma_wait3A_51 = tpu.memref_slice %arg2[%dma_wait3A_49, %dma_wait3A_50] : memref<2048x1024xf32, #tpu.memory_space<hbm>> -> memref<2048x1024xf32, #tpu.memory_space<hbm>>
    tpu.wait_indirect_dma semaphore(%arg8 : memref<!tpu.dma_semaphore, #tpu.memory_space<semaphore_mem>>) src(%dma_wait3A_51 : memref<2048x1024xf32, #tpu.memory_space<hbm>>) dst(%arg7 : memref<16x1024xf32, #tpu.memory_space<vmem>>)
    %add3A_52 = arith.constant 48 : i32
    %add3A_53 = arith.addi %mul3A_2, %add3A_52 : i32
    "tpu.region"() ({
      %run_scoped3A = tpu.sem_alloc : memref<!tpu.dma_semaphore, #tpu.memory_space<semaphore_mem>>
      %dma_start3A_133 = arith.constant 0 : i32
      %dma_start3A_134 = tpu.memref_slice %arg4[%add3A_53, %dma_start3A_133] : memref<5632x1024xf32, #tpu.memory_space<hbm>> -> memref<16x1024xf32, #tpu.memory_space<hbm>>
      %dma_start3A_135 = arith.constant 0 : i32
      %dma_start3A_136 = tpu.memref_slice %arg4[%add3A_53, %dma_start3A_135] : memref<5632x1024xf32, #tpu.memory_space<hbm>> -> memref<16x1024xf32, #tpu.memory_space<hbm>>
      tpu.enqueue_dma source(%arg7 : memref<16x1024xf32, #tpu.memory_space<vmem>>) target(%dma_start3A_136 : memref<16x1024xf32, #tpu.memory_space<hbm>>) target_semaphore(%run_scoped3A : memref<!tpu.dma_semaphore, #tpu.memory_space<semaphore_mem>>)
      %dma_wait3A_137 = arith.constant 0 : i32
      %dma_wait3A_138 = tpu.memref_slice %arg4[%add3A_53, %dma_wait3A_137] : memref<5632x1024xf32, #tpu.memory_space<hbm>> -> memref<16x1024xf32, #tpu.memory_space<hbm>>
      %dma_wait3A_139 = arith.constant 0 : i32
      %dma_wait3A_140 = tpu.memref_slice %arg4[%add3A_53, %dma_wait3A_139] : memref<5632x1024xf32, #tpu.memory_space<hbm>> -> memref<16x1024xf32, #tpu.memory_space<hbm>>
      tpu.wait_dma2 semaphore(%run_scoped3A : memref<!tpu.dma_semaphore, #tpu.memory_space<semaphore_mem>>) src(%arg7 : memref<16x1024xf32, #tpu.memory_space<vmem>>) dst(%dma_wait3A_140 : memref<16x1024xf32, #tpu.memory_space<hbm>>)
      tpu.yield
    }) : () -> ()
    %dma_start3A_54 = arith.constant 80 : i32
    %dma_start3A_55 = tpu.memref_slice %arg5[%dma_start3A_54] : memref<176xi32, #tpu.memory_space<vmem>> -> memref<16xi32, #tpu.memory_space<vmem>>
    %dma_start3A_56 = arith.constant 0 : i32
    %dma_start3A_57 = arith.constant 0 : i32
    %dma_start3A_58 = tpu.memref_slice %arg2[%dma_start3A_56, %dma_start3A_57] : memref<2048x1024xf32, #tpu.memory_space<hbm>> -> memref<2048x1024xf32, #tpu.memory_space<hbm>>
    tpu.enqueue_indirect_dma source(%dma_start3A_58 : memref<2048x1024xf32, #tpu.memory_space<hbm>>) target(%arg7 : memref<16x1024xf32, #tpu.memory_space<vmem>>) offsets(%dma_start3A_55 : memref<16xi32, #tpu.memory_space<vmem>>) semaphore(%arg8 : memref<!tpu.dma_semaphore, #tpu.memory_space<semaphore_mem>>)
    %dma_wait3A_59 = arith.constant 64 : i32
    %dma_wait3A_60 = tpu.memref_slice %arg5[%dma_wait3A_59] : memref<176xi32, #tpu.memory_space<vmem>> -> memref<16xi32, #tpu.memory_space<vmem>>
    %dma_wait3A_61 = arith.constant 0 : i32
    %dma_wait3A_62 = arith.constant 0 : i32
    %dma_wait3A_63 = tpu.memref_slice %arg2[%dma_wait3A_61, %dma_wait3A_62] : memref<2048x1024xf32, #tpu.memory_space<hbm>> -> memref<2048x1024xf32, #tpu.memory_space<hbm>>
    tpu.wait_indirect_dma semaphore(%arg8 : memref<!tpu.dma_semaphore, #tpu.memory_space<semaphore_mem>>) src(%dma_wait3A_63 : memref<2048x1024xf32, #tpu.memory_space<hbm>>) dst(%arg6 : memref<16x1024xf32, #tpu.memory_space<vmem>>)
    %add3A_64 = arith.constant 64 : i32
    %add3A_65 = arith.addi %mul3A_2, %add3A_64 : i32
    "tpu.region"() ({
      %run_scoped3A = tpu.sem_alloc : memref<!tpu.dma_semaphore, #tpu.memory_space<semaphore_mem>>
      %dma_start3A_133 = arith.constant 0 : i32
      %dma_start3A_134 = tpu.memref_slice %arg4[%add3A_65, %dma_start3A_133] : memref<5632x1024xf32, #tpu.memory_space<hbm>> -> memref<16x1024xf32, #tpu.memory_space<hbm>>
      %dma_start3A_135 = arith.constant 0 : i32
      %dma_start3A_136 = tpu.memref_slice %arg4[%add3A_65, %dma_start3A_135] : memref<5632x1024xf32, #tpu.memory_space<hbm>> -> memref<16x1024xf32, #tpu.memory_space<hbm>>
      tpu.enqueue_dma source(%arg6 : memref<16x1024xf32, #tpu.memory_space<vmem>>) target(%dma_start3A_136 : memref<16x1024xf32, #tpu.memory_space<hbm>>) target_semaphore(%run_scoped3A : memref<!tpu.dma_semaphore, #tpu.memory_space<semaphore_mem>>)
      %dma_wait3A_137 = arith.constant 0 : i32
      %dma_wait3A_138 = tpu.memref_slice %arg4[%add3A_65, %dma_wait3A_137] : memref<5632x1024xf32, #tpu.memory_space<hbm>> -> memref<16x1024xf32, #tpu.memory_space<hbm>>
      %dma_wait3A_139 = arith.constant 0 : i32
      %dma_wait3A_140 = tpu.memref_slice %arg4[%add3A_65, %dma_wait3A_139] : memref<5632x1024xf32, #tpu.memory_space<hbm>> -> memref<16x1024xf32, #tpu.memory_space<hbm>>
      tpu.wait_dma2 semaphore(%run_scoped3A : memref<!tpu.dma_semaphore, #tpu.memory_space<semaphore_mem>>) src(%arg6 : memref<16x1024xf32, #tpu.memory_space<vmem>>) dst(%dma_wait3A_140 : memref<16x1024xf32, #tpu.memory_space<hbm>>)
      tpu.yield
    }) : () -> ()
    %dma_start3A_66 = arith.constant 96 : i32
    %dma_start3A_67 = tpu.memref_slice %arg5[%dma_start3A_66] : memref<176xi32, #tpu.memory_space<vmem>> -> memref<16xi32, #tpu.memory_space<vmem>>
    %dma_start3A_68 = arith.constant 0 : i32
    %dma_start3A_69 = arith.constant 0 : i32
    %dma_start3A_70 = tpu.memref_slice %arg2[%dma_start3A_68, %dma_start3A_69] : memref<2048x1024xf32, #tpu.memory_space<hbm>> -> memref<2048x1024xf32, #tpu.memory_space<hbm>>
    tpu.enqueue_indirect_dma source(%dma_start3A_70 : memref<2048x1024xf32, #tpu.memory_space<hbm>>) target(%arg6 : memref<16x1024xf32, #tpu.memory_space<vmem>>) offsets(%dma_start3A_67 : memref<16xi32, #tpu.memory_space<vmem>>) semaphore(%arg8 : memref<!tpu.dma_semaphore, #tpu.memory_space<semaphore_mem>>)
    %dma_wait3A_71 = arith.constant 80 : i32
    %dma_wait3A_72 = tpu.memref_slice %arg5[%dma_wait3A_71] : memref<176xi32, #tpu.memory_space<vmem>> -> memref<16xi32, #tpu.memory_space<vmem>>
    %dma_wait3A_73 = arith.constant 0 : i32
    %dma_wait3A_74 = arith.constant 0 : i32
    %dma_wait3A_75 = tpu.memref_slice %arg2[%dma_wait3A_73, %dma_wait3A_74] : memref<2048x1024xf32, #tpu.memory_space<hbm>> -> memref<2048x1024xf32, #tpu.memory_space<hbm>>
    tpu.wait_indirect_dma semaphore(%arg8 : memref<!tpu.dma_semaphore, #tpu.memory_space<semaphore_mem>>) src(%dma_wait3A_75 : memref<2048x1024xf32, #tpu.memory_space<hbm>>) dst(%arg7 : memref<16x1024xf32, #tpu.memory_space<vmem>>)
    %add3A_76 = arith.constant 80 : i32
    %add3A_77 = arith.addi %mul3A_2, %add3A_76 : i32
    "tpu.region"() ({
      %run_scoped3A = tpu.sem_alloc : memref<!tpu.dma_semaphore, #tpu.memory_space<semaphore_mem>>
      %dma_start3A_133 = arith.constant 0 : i32
      %dma_start3A_134 = tpu.memref_slice %arg4[%add3A_77, %dma_start3A_133] : memref<5632x1024xf32, #tpu.memory_space<hbm>> -> memref<16x1024xf32, #tpu.memory_space<hbm>>
      %dma_start3A_135 = arith.constant 0 : i32
      %dma_start3A_136 = tpu.memref_slice %arg4[%add3A_77, %dma_start3A_135] : memref<5632x1024xf32, #tpu.memory_space<hbm>> -> memref<16x1024xf32, #tpu.memory_space<hbm>>
      tpu.enqueue_dma source(%arg7 : memref<16x1024xf32, #tpu.memory_space<vmem>>) target(%dma_start3A_136 : memref<16x1024xf32, #tpu.memory_space<hbm>>) target_semaphore(%run_scoped3A : memref<!tpu.dma_semaphore, #tpu.memory_space<semaphore_mem>>)
      %dma_wait3A_137 = arith.constant 0 : i32
      %dma_wait3A_138 = tpu.memref_slice %arg4[%add3A_77, %dma_wait3A_137] : memref<5632x1024xf32, #tpu.memory_space<hbm>> -> memref<16x1024xf32, #tpu.memory_space<hbm>>
      %dma_wait3A_139 = arith.constant 0 : i32
      %dma_wait3A_140 = tpu.memref_slice %arg4[%add3A_77, %dma_wait3A_139] : memref<5632x1024xf32, #tpu.memory_space<hbm>> -> memref<16x1024xf32, #tpu.memory_space<hbm>>
      tpu.wait_dma2 semaphore(%run_scoped3A : memref<!tpu.dma_semaphore, #tpu.memory_space<semaphore_mem>>) src(%arg7 : memref<16x1024xf32, #tpu.memory_space<vmem>>) dst(%dma_wait3A_140 : memref<16x1024xf32, #tpu.memory_space<hbm>>)
      tpu.yield
    }) : () -> ()
    %dma_start3A_78 = arith.constant 112 : i32
    %dma_start3A_79 = tpu.memref_slice %arg5[%dma_start3A_78] : memref<176xi32, #tpu.memory_space<vmem>> -> memref<16xi32, #tpu.memory_space<vmem>>
    %dma_start3A_80 = arith.constant 0 : i32
    %dma_start3A_81 = arith.constant 0 : i32
    %dma_start3A_82 = tpu.memref_slice %arg2[%dma_start3A_80, %dma_start3A_81] : memref<2048x1024xf32, #tpu.memory_space<hbm>> -> memref<2048x1024xf32, #tpu.memory_space<hbm>>
    tpu.enqueue_indirect_dma source(%dma_start3A_82 : memref<2048x1024xf32, #tpu.memory_space<hbm>>) target(%arg7 : memref<16x1024xf32, #tpu.memory_space<vmem>>) offsets(%dma_start3A_79 : memref<16xi32, #tpu.memory_space<vmem>>) semaphore(%arg8 : memref<!tpu.dma_semaphore, #tpu.memory_space<semaphore_mem>>)
    %dma_wait3A_83 = arith.constant 96 : i32
    %dma_wait3A_84 = tpu.memref_slice %arg5[%dma_wait3A_83] : memref<176xi32, #tpu.memory_space<vmem>> -> memref<16xi32, #tpu.memory_space<vmem>>
    %dma_wait3A_85 = arith.constant 0 : i32
    %dma_wait3A_86 = arith.constant 0 : i32
    %dma_wait3A_87 = tpu.memref_slice %arg2[%dma_wait3A_85, %dma_wait3A_86] : memref<2048x1024xf32, #tpu.memory_space<hbm>> -> memref<2048x1024xf32, #tpu.memory_space<hbm>>
    tpu.wait_indirect_dma semaphore(%arg8 : memref<!tpu.dma_semaphore, #tpu.memory_space<semaphore_mem>>) src(%dma_wait3A_87 : memref<2048x1024xf32, #tpu.memory_space<hbm>>) dst(%arg6 : memref<16x1024xf32, #tpu.memory_space<vmem>>)
    %add3A_88 = arith.constant 96 : i32
    %add3A_89 = arith.addi %mul3A_2, %add3A_88 : i32
    "tpu.region"() ({
      %run_scoped3A = tpu.sem_alloc : memref<!tpu.dma_semaphore, #tpu.memory_space<semaphore_mem>>
      %dma_start3A_133 = arith.constant 0 : i32
      %dma_start3A_134 = tpu.memref_slice %arg4[%add3A_89, %dma_start3A_133] : memref<5632x1024xf32, #tpu.memory_space<hbm>> -> memref<16x1024xf32, #tpu.memory_space<hbm>>
      %dma_start3A_135 = arith.constant 0 : i32
      %dma_start3A_136 = tpu.memref_slice %arg4[%add3A_89, %dma_start3A_135] : memref<5632x1024xf32, #tpu.memory_space<hbm>> -> memref<16x1024xf32, #tpu.memory_space<hbm>>
      tpu.enqueue_dma source(%arg6 : memref<16x1024xf32, #tpu.memory_space<vmem>>) target(%dma_start3A_136 : memref<16x1024xf32, #tpu.memory_space<hbm>>) target_semaphore(%run_scoped3A : memref<!tpu.dma_semaphore, #tpu.memory_space<semaphore_mem>>)
      %dma_wait3A_137 = arith.constant 0 : i32
      %dma_wait3A_138 = tpu.memref_slice %arg4[%add3A_89, %dma_wait3A_137] : memref<5632x1024xf32, #tpu.memory_space<hbm>> -> memref<16x1024xf32, #tpu.memory_space<hbm>>
      %dma_wait3A_139 = arith.constant 0 : i32
      %dma_wait3A_140 = tpu.memref_slice %arg4[%add3A_89, %dma_wait3A_139] : memref<5632x1024xf32, #tpu.memory_space<hbm>> -> memref<16x1024xf32, #tpu.memory_space<hbm>>
      tpu.wait_dma2 semaphore(%run_scoped3A : memref<!tpu.dma_semaphore, #tpu.memory_space<semaphore_mem>>) src(%arg6 : memref<16x1024xf32, #tpu.memory_space<vmem>>) dst(%dma_wait3A_140 : memref<16x1024xf32, #tpu.memory_space<hbm>>)
      tpu.yield
    }) : () -> ()
    %dma_start3A_90 = arith.constant 128 : i32
    %dma_start3A_91 = tpu.memref_slice %arg5[%dma_start3A_90] : memref<176xi32, #tpu.memory_space<vmem>> -> memref<16xi32, #tpu.memory_space<vmem>>
    %dma_start3A_92 = arith.constant 0 : i32
    %dma_start3A_93 = arith.constant 0 : i32
    %dma_start3A_94 = tpu.memref_slice %arg2[%dma_start3A_92, %dma_start3A_93] : memref<2048x1024xf32, #tpu.memory_space<hbm>> -> memref<2048x1024xf32, #tpu.memory_space<hbm>>
    tpu.enqueue_indirect_dma source(%dma_start3A_94 : memref<2048x1024xf32, #tpu.memory_space<hbm>>) target(%arg6 : memref<16x1024xf32, #tpu.memory_space<vmem>>) offsets(%dma_start3A_91 : memref<16xi32, #tpu.memory_space<vmem>>) semaphore(%arg8 : memref<!tpu.dma_semaphore, #tpu.memory_space<semaphore_mem>>)
    %dma_wait3A_95 = arith.constant 112 : i32
    %dma_wait3A_96 = tpu.memref_slice %arg5[%dma_wait3A_95] : memref<176xi32, #tpu.memory_space<vmem>> -> memref<16xi32, #tpu.memory_space<vmem>>
    %dma_wait3A_97 = arith.constant 0 : i32
    %dma_wait3A_98 = arith.constant 0 : i32
    %dma_wait3A_99 = tpu.memref_slice %arg2[%dma_wait3A_97, %dma_wait3A_98] : memref<2048x1024xf32, #tpu.memory_space<hbm>> -> memref<2048x1024xf32, #tpu.memory_space<hbm>>
    tpu.wait_indirect_dma semaphore(%arg8 : memref<!tpu.dma_semaphore, #tpu.memory_space<semaphore_mem>>) src(%dma_wait3A_99 : memref<2048x1024xf32, #tpu.memory_space<hbm>>) dst(%arg7 : memref<16x1024xf32, #tpu.memory_space<vmem>>)
    %add3A_100 = arith.constant 112 : i32
    %add3A_101 = arith.addi %mul3A_2, %add3A_100 : i32
    "tpu.region"() ({
      %run_scoped3A = tpu.sem_alloc : memref<!tpu.dma_semaphore, #tpu.memory_space<semaphore_mem>>
      %dma_start3A_133 = arith.constant 0 : i32
      %dma_start3A_134 = tpu.memref_slice %arg4[%add3A_101, %dma_start3A_133] : memref<5632x1024xf32, #tpu.memory_space<hbm>> -> memref<16x1024xf32, #tpu.memory_space<hbm>>
      %dma_start3A_135 = arith.constant 0 : i32
      %dma_start3A_136 = tpu.memref_slice %arg4[%add3A_101, %dma_start3A_135] : memref<5632x1024xf32, #tpu.memory_space<hbm>> -> memref<16x1024xf32, #tpu.memory_space<hbm>>
      tpu.enqueue_dma source(%arg7 : memref<16x1024xf32, #tpu.memory_space<vmem>>) target(%dma_start3A_136 : memref<16x1024xf32, #tpu.memory_space<hbm>>) target_semaphore(%run_scoped3A : memref<!tpu.dma_semaphore, #tpu.memory_space<semaphore_mem>>)
      %dma_wait3A_137 = arith.constant 0 : i32
      %dma_wait3A_138 = tpu.memref_slice %arg4[%add3A_101, %dma_wait3A_137] : memref<5632x1024xf32, #tpu.memory_space<hbm>> -> memref<16x1024xf32, #tpu.memory_space<hbm>>
      %dma_wait3A_139 = arith.constant 0 : i32
      %dma_wait3A_140 = tpu.memref_slice %arg4[%add3A_101, %dma_wait3A_139] : memref<5632x1024xf32, #tpu.memory_space<hbm>> -> memref<16x1024xf32, #tpu.memory_space<hbm>>
      tpu.wait_dma2 semaphore(%run_scoped3A : memref<!tpu.dma_semaphore, #tpu.memory_space<semaphore_mem>>) src(%arg7 : memref<16x1024xf32, #tpu.memory_space<vmem>>) dst(%dma_wait3A_140 : memref<16x1024xf32, #tpu.memory_space<hbm>>)
      tpu.yield
    }) : () -> ()
    %dma_start3A_102 = arith.constant 144 : i32
    %dma_start3A_103 = tpu.memref_slice %arg5[%dma_start3A_102] : memref<176xi32, #tpu.memory_space<vmem>> -> memref<16xi32, #tpu.memory_space<vmem>>
    %dma_start3A_104 = arith.constant 0 : i32
    %dma_start3A_105 = arith.constant 0 : i32
    %dma_start3A_106 = tpu.memref_slice %arg2[%dma_start3A_104, %dma_start3A_105] : memref<2048x1024xf32, #tpu.memory_space<hbm>> -> memref<2048x1024xf32, #tpu.memory_space<hbm>>
    tpu.enqueue_indirect_dma source(%dma_start3A_106 : memref<2048x1024xf32, #tpu.memory_space<hbm>>) target(%arg7 : memref<16x1024xf32, #tpu.memory_space<vmem>>) offsets(%dma_start3A_103 : memref<16xi32, #tpu.memory_space<vmem>>) semaphore(%arg8 : memref<!tpu.dma_semaphore, #tpu.memory_space<semaphore_mem>>)
    %dma_wait3A_107 = arith.constant 128 : i32
    %dma_wait3A_108 = tpu.memref_slice %arg5[%dma_wait3A_107] : memref<176xi32, #tpu.memory_space<vmem>> -> memref<16xi32, #tpu.memory_space<vmem>>
    %dma_wait3A_109 = arith.constant 0 : i32
    %dma_wait3A_110 = arith.constant 0 : i32
    %dma_wait3A_111 = tpu.memref_slice %arg2[%dma_wait3A_109, %dma_wait3A_110] : memref<2048x1024xf32, #tpu.memory_space<hbm>> -> memref<2048x1024xf32, #tpu.memory_space<hbm>>
    tpu.wait_indirect_dma semaphore(%arg8 : memref<!tpu.dma_semaphore, #tpu.memory_space<semaphore_mem>>) src(%dma_wait3A_111 : memref<2048x1024xf32, #tpu.memory_space<hbm>>) dst(%arg6 : memref<16x1024xf32, #tpu.memory_space<vmem>>)
    %add3A_112 = arith.constant 128 : i32
    %add3A_113 = arith.addi %mul3A_2, %add3A_112 : i32
    "tpu.region"() ({
      %run_scoped3A = tpu.sem_alloc : memref<!tpu.dma_semaphore, #tpu.memory_space<semaphore_mem>>
      %dma_start3A_133 = arith.constant 0 : i32
      %dma_start3A_134 = tpu.memref_slice %arg4[%add3A_113, %dma_start3A_133] : memref<5632x1024xf32, #tpu.memory_space<hbm>> -> memref<16x1024xf32, #tpu.memory_space<hbm>>
      %dma_start3A_135 = arith.constant 0 : i32
      %dma_start3A_136 = tpu.memref_slice %arg4[%add3A_113, %dma_start3A_135] : memref<5632x1024xf32, #tpu.memory_space<hbm>> -> memref<16x1024xf32, #tpu.memory_space<hbm>>
      tpu.enqueue_dma source(%arg6 : memref<16x1024xf32, #tpu.memory_space<vmem>>) target(%dma_start3A_136 : memref<16x1024xf32, #tpu.memory_space<hbm>>) target_semaphore(%run_scoped3A : memref<!tpu.dma_semaphore, #tpu.memory_space<semaphore_mem>>)
      %dma_wait3A_137 = arith.constant 0 : i32
      %dma_wait3A_138 = tpu.memref_slice %arg4[%add3A_113, %dma_wait3A_137] : memref<5632x1024xf32, #tpu.memory_space<hbm>> -> memref<16x1024xf32, #tpu.memory_space<hbm>>
      %dma_wait3A_139 = arith.constant 0 : i32
      %dma_wait3A_140 = tpu.memref_slice %arg4[%add3A_113, %dma_wait3A_139] : memref<5632x1024xf32, #tpu.memory_space<hbm>> -> memref<16x1024xf32, #tpu.memory_space<hbm>>
      tpu.wait_dma2 semaphore(%run_scoped3A : memref<!tpu.dma_semaphore, #tpu.memory_space<semaphore_mem>>) src(%arg6 : memref<16x1024xf32, #tpu.memory_space<vmem>>) dst(%dma_wait3A_140 : memref<16x1024xf32, #tpu.memory_space<hbm>>)
      tpu.yield
    }) : () -> ()
    %dma_start3A_114 = arith.constant 160 : i32
    %dma_start3A_115 = tpu.memref_slice %arg5[%dma_start3A_114] : memref<176xi32, #tpu.memory_space<vmem>> -> memref<16xi32, #tpu.memory_space<vmem>>
    %dma_start3A_116 = arith.constant 0 : i32
    %dma_start3A_117 = arith.constant 0 : i32
    %dma_start3A_118 = tpu.memref_slice %arg2[%dma_start3A_116, %dma_start3A_117] : memref<2048x1024xf32, #tpu.memory_space<hbm>> -> memref<2048x1024xf32, #tpu.memory_space<hbm>>
    tpu.enqueue_indirect_dma source(%dma_start3A_118 : memref<2048x1024xf32, #tpu.memory_space<hbm>>) target(%arg6 : memref<16x1024xf32, #tpu.memory_space<vmem>>) offsets(%dma_start3A_115 : memref<16xi32, #tpu.memory_space<vmem>>) semaphore(%arg8 : memref<!tpu.dma_semaphore, #tpu.memory_space<semaphore_mem>>)
    %dma_wait3A_119 = arith.constant 144 : i32
    %dma_wait3A_120 = tpu.memref_slice %arg5[%dma_wait3A_119] : memref<176xi32, #tpu.memory_space<vmem>> -> memref<16xi32, #tpu.memory_space<vmem>>
    %dma_wait3A_121 = arith.constant 0 : i32
    %dma_wait3A_122 = arith.constant 0 : i32
    %dma_wait3A_123 = tpu.memref_slice %arg2[%dma_wait3A_121, %dma_wait3A_122] : memref<2048x1024xf32, #tpu.memory_space<hbm>> -> memref<2048x1024xf32, #tpu.memory_space<hbm>>
    tpu.wait_indirect_dma semaphore(%arg8 : memref<!tpu.dma_semaphore, #tpu.memory_space<semaphore_mem>>) src(%dma_wait3A_123 : memref<2048x1024xf32, #tpu.memory_space<hbm>>) dst(%arg7 : memref<16x1024xf32, #tpu.memory_space<vmem>>)
    %add3A_124 = arith.constant 144 : i32
    %add3A_125 = arith.addi %mul3A_2, %add3A_124 : i32
    "tpu.region"() ({
      %run_scoped3A = tpu.sem_alloc : memref<!tpu.dma_semaphore, #tpu.memory_space<semaphore_mem>>
      %dma_start3A_133 = arith.constant 0 : i32
      %dma_start3A_134 = tpu.memref_slice %arg4[%add3A_125, %dma_start3A_133] : memref<5632x1024xf32, #tpu.memory_space<hbm>> -> memref<16x1024xf32, #tpu.memory_space<hbm>>
      %dma_start3A_135 = arith.constant 0 : i32
      %dma_start3A_136 = tpu.memref_slice %arg4[%add3A_125, %dma_start3A_135] : memref<5632x1024xf32, #tpu.memory_space<hbm>> -> memref<16x1024xf32, #tpu.memory_space<hbm>>
      tpu.enqueue_dma source(%arg7 : memref<16x1024xf32, #tpu.memory_space<vmem>>) target(%dma_start3A_136 : memref<16x1024xf32, #tpu.memory_space<hbm>>) target_semaphore(%run_scoped3A : memref<!tpu.dma_semaphore, #tpu.memory_space<semaphore_mem>>)
      %dma_wait3A_137 = arith.constant 0 : i32
      %dma_wait3A_138 = tpu.memref_slice %arg4[%add3A_125, %dma_wait3A_137] : memref<5632x1024xf32, #tpu.memory_space<hbm>> -> memref<16x1024xf32, #tpu.memory_space<hbm>>
      %dma_wait3A_139 = arith.constant 0 : i32
      %dma_wait3A_140 = tpu.memref_slice %arg4[%add3A_125, %dma_wait3A_139] : memref<5632x1024xf32, #tpu.memory_space<hbm>> -> memref<16x1024xf32, #tpu.memory_space<hbm>>
      tpu.wait_dma2 semaphore(%run_scoped3A : memref<!tpu.dma_semaphore, #tpu.memory_space<semaphore_mem>>) src(%arg7 : memref<16x1024xf32, #tpu.memory_space<vmem>>) dst(%dma_wait3A_140 : memref<16x1024xf32, #tpu.memory_space<hbm>>)
      tpu.yield
    }) : () -> ()
    %dma_wait3A_126 = arith.constant 160 : i32
    %dma_wait3A_127 = tpu.memref_slice %arg5[%dma_wait3A_126] : memref<176xi32, #tpu.memory_space<vmem>> -> memref<16xi32, #tpu.memory_space<vmem>>
    %dma_wait3A_128 = arith.constant 0 : i32
    %dma_wait3A_129 = arith.constant 0 : i32
    %dma_wait3A_130 = tpu.memref_slice %arg2[%dma_wait3A_128, %dma_wait3A_129] : memref<2048x1024xf32, #tpu.memory_space<hbm>> -> memref<2048x1024xf32, #tpu.memory_space<hbm>>
    tpu.wait_indirect_dma semaphore(%arg8 : memref<!tpu.dma_semaphore, #tpu.memory_space<semaphore_mem>>) src(%dma_wait3A_130 : memref<2048x1024xf32, #tpu.memory_space<hbm>>) dst(%arg6 : memref<16x1024xf32, #tpu.memory_space<vmem>>)
    %add3A_131 = arith.constant 160 : i32
    %add3A_132 = arith.addi %mul3A_2, %add3A_131 : i32
    "tpu.region"() ({
      %run_scoped3A = tpu.sem_alloc : memref<!tpu.dma_semaphore, #tpu.memory_space<semaphore_mem>>
      %dma_start3A_133 = arith.constant 0 : i32
      %dma_start3A_134 = tpu.memref_slice %arg4[%add3A_132, %dma_start3A_133] : memref<5632x1024xf32, #tpu.memory_space<hbm>> -> memref<16x1024xf32, #tpu.memory_space<hbm>>
      %dma_start3A_135 = arith.constant 0 : i32
      %dma_start3A_136 = tpu.memref_slice %arg4[%add3A_132, %dma_start3A_135] : memref<5632x1024xf32, #tpu.memory_space<hbm>> -> memref<16x1024xf32, #tpu.memory_space<hbm>>
      tpu.enqueue_dma source(%arg6 : memref<16x1024xf32, #tpu.memory_space<vmem>>) target(%dma_start3A_136 : memref<16x1024xf32, #tpu.memory_space<hbm>>) target_semaphore(%run_scoped3A : memref<!tpu.dma_semaphore, #tpu.memory_space<semaphore_mem>>)
      %dma_wait3A_137 = arith.constant 0 : i32
      %dma_wait3A_138 = tpu.memref_slice %arg4[%add3A_132, %dma_wait3A_137] : memref<5632x1024xf32, #tpu.memory_space<hbm>> -> memref<16x1024xf32, #tpu.memory_space<hbm>>
      %dma_wait3A_139 = arith.constant 0 : i32
      %dma_wait3A_140 = tpu.memref_slice %arg4[%add3A_132, %dma_wait3A_139] : memref<5632x1024xf32, #tpu.memory_space<hbm>> -> memref<16x1024xf32, #tpu.memory_space<hbm>>
      tpu.wait_dma2 semaphore(%run_scoped3A : memref<!tpu.dma_semaphore, #tpu.memory_space<semaphore_mem>>) src(%arg6 : memref<16x1024xf32, #tpu.memory_space<vmem>>) dst(%dma_wait3A_140 : memref<16x1024xf32, #tpu.memory_space<hbm>>)
      tpu.yield
    }) : () -> ()
    return
  }
}

#map = affine_map<(d0, d1) -> (0, 0)>
#map1 = affine_map<(d0, d1) -> (0)>
module attributes {stable_mosaic.version = 14 : i64} {
  func.func @_row_gather_body(%arg0: i32, %arg1: i32, %arg2: memref<5632x1024xf32, #tpu.memory_space<hbm>>, %arg3: memref<4096xi32, #tpu.memory_space<hbm>>, %arg4: memref<4096x1024xf32, #tpu.memory_space<hbm>>, %arg5: memref<128xi32, #tpu.memory_space<vmem>>, %arg6: memref<32x1024xf32, #tpu.memory_space<vmem>>, %arg7: memref<32x1024xf32, #tpu.memory_space<vmem>>, %arg8: memref<!tpu.dma_semaphore, #tpu.memory_space<semaphore_mem>>) attributes {dimension_semantics = [#tpu.dimension_semantics<core_parallel>, #tpu.dimension_semantics<subcore_parallel>], iteration_bounds = array<i64: 2, 16>, scalar_prefetch = 0 : i64, scratch_operands = 4 : i64, tpu.core_type = #tpu.core_type<sc_vector_subcore>, window_params = [{transform_indices = #map}, {transform_indices = #map1}, {transform_indices = #map}]} {
    %mul3A = arith.constant 2 : i32
    %mul3A_0 = arith.muli %arg1, %mul3A : i32
    %add3A = arith.addi %mul3A_0, %arg0 : i32
    %mul3A_1 = arith.constant 128 : i32
    %mul3A_2 = arith.muli %add3A, %mul3A_1 : i32
    "tpu.region"() ({
      %run_scoped3A = tpu.sem_alloc : memref<!tpu.dma_semaphore, #tpu.memory_space<semaphore_mem>>
      %dma_start3A_49 = tpu.memref_slice %arg3[%mul3A_2] : memref<4096xi32, #tpu.memory_space<hbm>> -> memref<128xi32, #tpu.memory_space<hbm>>
      %dma_start3A_50 = tpu.memref_slice %arg3[%mul3A_2] : memref<4096xi32, #tpu.memory_space<hbm>> -> memref<128xi32, #tpu.memory_space<hbm>>
      tpu.enqueue_dma source(%dma_start3A_50 : memref<128xi32, #tpu.memory_space<hbm>>) target(%arg5 : memref<128xi32, #tpu.memory_space<vmem>>) target_semaphore(%run_scoped3A : memref<!tpu.dma_semaphore, #tpu.memory_space<semaphore_mem>>)
      %dma_wait3A_51 = tpu.memref_slice %arg3[%mul3A_2] : memref<4096xi32, #tpu.memory_space<hbm>> -> memref<128xi32, #tpu.memory_space<hbm>>
      %dma_wait3A_52 = tpu.memref_slice %arg3[%mul3A_2] : memref<4096xi32, #tpu.memory_space<hbm>> -> memref<128xi32, #tpu.memory_space<hbm>>
      tpu.wait_dma2 semaphore(%run_scoped3A : memref<!tpu.dma_semaphore, #tpu.memory_space<semaphore_mem>>) src(%dma_wait3A_52 : memref<128xi32, #tpu.memory_space<hbm>>) dst(%arg5 : memref<128xi32, #tpu.memory_space<vmem>>)
      tpu.yield
    }) : () -> ()
    %dma_start3A = arith.constant 0 : i32
    %dma_start3A_3 = tpu.memref_slice %arg5[%dma_start3A] : memref<128xi32, #tpu.memory_space<vmem>> -> memref<32xi32, #tpu.memory_space<vmem>>
    %dma_start3A_4 = arith.constant 0 : i32
    %dma_start3A_5 = arith.constant 0 : i32
    %dma_start3A_6 = tpu.memref_slice %arg2[%dma_start3A_4, %dma_start3A_5] : memref<5632x1024xf32, #tpu.memory_space<hbm>> -> memref<5632x1024xf32, #tpu.memory_space<hbm>>
    tpu.enqueue_indirect_dma source(%dma_start3A_6 : memref<5632x1024xf32, #tpu.memory_space<hbm>>) target(%arg6 : memref<32x1024xf32, #tpu.memory_space<vmem>>) offsets(%dma_start3A_3 : memref<32xi32, #tpu.memory_space<vmem>>) semaphore(%arg8 : memref<!tpu.dma_semaphore, #tpu.memory_space<semaphore_mem>>)
    %dma_start3A_7 = arith.constant 32 : i32
    %dma_start3A_8 = tpu.memref_slice %arg5[%dma_start3A_7] : memref<128xi32, #tpu.memory_space<vmem>> -> memref<32xi32, #tpu.memory_space<vmem>>
    %dma_start3A_9 = arith.constant 0 : i32
    %dma_start3A_10 = arith.constant 0 : i32
    %dma_start3A_11 = tpu.memref_slice %arg2[%dma_start3A_9, %dma_start3A_10] : memref<5632x1024xf32, #tpu.memory_space<hbm>> -> memref<5632x1024xf32, #tpu.memory_space<hbm>>
    tpu.enqueue_indirect_dma source(%dma_start3A_11 : memref<5632x1024xf32, #tpu.memory_space<hbm>>) target(%arg7 : memref<32x1024xf32, #tpu.memory_space<vmem>>) offsets(%dma_start3A_8 : memref<32xi32, #tpu.memory_space<vmem>>) semaphore(%arg8 : memref<!tpu.dma_semaphore, #tpu.memory_space<semaphore_mem>>)
    %dma_wait3A = arith.constant 0 : i32
    %dma_wait3A_12 = tpu.memref_slice %arg5[%dma_wait3A] : memref<128xi32, #tpu.memory_space<vmem>> -> memref<32xi32, #tpu.memory_space<vmem>>
    %dma_wait3A_13 = arith.constant 0 : i32
    %dma_wait3A_14 = arith.constant 0 : i32
    %dma_wait3A_15 = tpu.memref_slice %arg2[%dma_wait3A_13, %dma_wait3A_14] : memref<5632x1024xf32, #tpu.memory_space<hbm>> -> memref<5632x1024xf32, #tpu.memory_space<hbm>>
    tpu.wait_indirect_dma semaphore(%arg8 : memref<!tpu.dma_semaphore, #tpu.memory_space<semaphore_mem>>) src(%dma_wait3A_15 : memref<5632x1024xf32, #tpu.memory_space<hbm>>) dst(%arg6 : memref<32x1024xf32, #tpu.memory_space<vmem>>)
    %add3A_16 = arith.constant 0 : i32
    %add3A_17 = arith.addi %mul3A_2, %add3A_16 : i32
    "tpu.region"() ({
      %run_scoped3A = tpu.sem_alloc : memref<!tpu.dma_semaphore, #tpu.memory_space<semaphore_mem>>
      %dma_start3A_49 = arith.constant 0 : i32
      %dma_start3A_50 = tpu.memref_slice %arg4[%add3A_17, %dma_start3A_49] : memref<4096x1024xf32, #tpu.memory_space<hbm>> -> memref<32x1024xf32, #tpu.memory_space<hbm>>
      %dma_start3A_51 = arith.constant 0 : i32
      %dma_start3A_52 = tpu.memref_slice %arg4[%add3A_17, %dma_start3A_51] : memref<4096x1024xf32, #tpu.memory_space<hbm>> -> memref<32x1024xf32, #tpu.memory_space<hbm>>
      tpu.enqueue_dma source(%arg6 : memref<32x1024xf32, #tpu.memory_space<vmem>>) target(%dma_start3A_52 : memref<32x1024xf32, #tpu.memory_space<hbm>>) target_semaphore(%run_scoped3A : memref<!tpu.dma_semaphore, #tpu.memory_space<semaphore_mem>>)
      %dma_wait3A_53 = arith.constant 0 : i32
      %dma_wait3A_54 = tpu.memref_slice %arg4[%add3A_17, %dma_wait3A_53] : memref<4096x1024xf32, #tpu.memory_space<hbm>> -> memref<32x1024xf32, #tpu.memory_space<hbm>>
      %dma_wait3A_55 = arith.constant 0 : i32
      %dma_wait3A_56 = tpu.memref_slice %arg4[%add3A_17, %dma_wait3A_55] : memref<4096x1024xf32, #tpu.memory_space<hbm>> -> memref<32x1024xf32, #tpu.memory_space<hbm>>
      tpu.wait_dma2 semaphore(%run_scoped3A : memref<!tpu.dma_semaphore, #tpu.memory_space<semaphore_mem>>) src(%arg6 : memref<32x1024xf32, #tpu.memory_space<vmem>>) dst(%dma_wait3A_56 : memref<32x1024xf32, #tpu.memory_space<hbm>>)
      tpu.yield
    }) : () -> ()
    %dma_start3A_18 = arith.constant 64 : i32
    %dma_start3A_19 = tpu.memref_slice %arg5[%dma_start3A_18] : memref<128xi32, #tpu.memory_space<vmem>> -> memref<32xi32, #tpu.memory_space<vmem>>
    %dma_start3A_20 = arith.constant 0 : i32
    %dma_start3A_21 = arith.constant 0 : i32
    %dma_start3A_22 = tpu.memref_slice %arg2[%dma_start3A_20, %dma_start3A_21] : memref<5632x1024xf32, #tpu.memory_space<hbm>> -> memref<5632x1024xf32, #tpu.memory_space<hbm>>
    tpu.enqueue_indirect_dma source(%dma_start3A_22 : memref<5632x1024xf32, #tpu.memory_space<hbm>>) target(%arg6 : memref<32x1024xf32, #tpu.memory_space<vmem>>) offsets(%dma_start3A_19 : memref<32xi32, #tpu.memory_space<vmem>>) semaphore(%arg8 : memref<!tpu.dma_semaphore, #tpu.memory_space<semaphore_mem>>)
    %dma_wait3A_23 = arith.constant 32 : i32
    %dma_wait3A_24 = tpu.memref_slice %arg5[%dma_wait3A_23] : memref<128xi32, #tpu.memory_space<vmem>> -> memref<32xi32, #tpu.memory_space<vmem>>
    %dma_wait3A_25 = arith.constant 0 : i32
    %dma_wait3A_26 = arith.constant 0 : i32
    %dma_wait3A_27 = tpu.memref_slice %arg2[%dma_wait3A_25, %dma_wait3A_26] : memref<5632x1024xf32, #tpu.memory_space<hbm>> -> memref<5632x1024xf32, #tpu.memory_space<hbm>>
    tpu.wait_indirect_dma semaphore(%arg8 : memref<!tpu.dma_semaphore, #tpu.memory_space<semaphore_mem>>) src(%dma_wait3A_27 : memref<5632x1024xf32, #tpu.memory_space<hbm>>) dst(%arg7 : memref<32x1024xf32, #tpu.memory_space<vmem>>)
    %add3A_28 = arith.constant 32 : i32
    %add3A_29 = arith.addi %mul3A_2, %add3A_28 : i32
    "tpu.region"() ({
      %run_scoped3A = tpu.sem_alloc : memref<!tpu.dma_semaphore, #tpu.memory_space<semaphore_mem>>
      %dma_start3A_49 = arith.constant 0 : i32
      %dma_start3A_50 = tpu.memref_slice %arg4[%add3A_29, %dma_start3A_49] : memref<4096x1024xf32, #tpu.memory_space<hbm>> -> memref<32x1024xf32, #tpu.memory_space<hbm>>
      %dma_start3A_51 = arith.constant 0 : i32
      %dma_start3A_52 = tpu.memref_slice %arg4[%add3A_29, %dma_start3A_51] : memref<4096x1024xf32, #tpu.memory_space<hbm>> -> memref<32x1024xf32, #tpu.memory_space<hbm>>
      tpu.enqueue_dma source(%arg7 : memref<32x1024xf32, #tpu.memory_space<vmem>>) target(%dma_start3A_52 : memref<32x1024xf32, #tpu.memory_space<hbm>>) target_semaphore(%run_scoped3A : memref<!tpu.dma_semaphore, #tpu.memory_space<semaphore_mem>>)
      %dma_wait3A_53 = arith.constant 0 : i32
      %dma_wait3A_54 = tpu.memref_slice %arg4[%add3A_29, %dma_wait3A_53] : memref<4096x1024xf32, #tpu.memory_space<hbm>> -> memref<32x1024xf32, #tpu.memory_space<hbm>>
      %dma_wait3A_55 = arith.constant 0 : i32
      %dma_wait3A_56 = tpu.memref_slice %arg4[%add3A_29, %dma_wait3A_55] : memref<4096x1024xf32, #tpu.memory_space<hbm>> -> memref<32x1024xf32, #tpu.memory_space<hbm>>
      tpu.wait_dma2 semaphore(%run_scoped3A : memref<!tpu.dma_semaphore, #tpu.memory_space<semaphore_mem>>) src(%arg7 : memref<32x1024xf32, #tpu.memory_space<vmem>>) dst(%dma_wait3A_56 : memref<32x1024xf32, #tpu.memory_space<hbm>>)
      tpu.yield
    }) : () -> ()
    %dma_start3A_30 = arith.constant 96 : i32
    %dma_start3A_31 = tpu.memref_slice %arg5[%dma_start3A_30] : memref<128xi32, #tpu.memory_space<vmem>> -> memref<32xi32, #tpu.memory_space<vmem>>
    %dma_start3A_32 = arith.constant 0 : i32
    %dma_start3A_33 = arith.constant 0 : i32
    %dma_start3A_34 = tpu.memref_slice %arg2[%dma_start3A_32, %dma_start3A_33] : memref<5632x1024xf32, #tpu.memory_space<hbm>> -> memref<5632x1024xf32, #tpu.memory_space<hbm>>
    tpu.enqueue_indirect_dma source(%dma_start3A_34 : memref<5632x1024xf32, #tpu.memory_space<hbm>>) target(%arg7 : memref<32x1024xf32, #tpu.memory_space<vmem>>) offsets(%dma_start3A_31 : memref<32xi32, #tpu.memory_space<vmem>>) semaphore(%arg8 : memref<!tpu.dma_semaphore, #tpu.memory_space<semaphore_mem>>)
    %dma_wait3A_35 = arith.constant 64 : i32
    %dma_wait3A_36 = tpu.memref_slice %arg5[%dma_wait3A_35] : memref<128xi32, #tpu.memory_space<vmem>> -> memref<32xi32, #tpu.memory_space<vmem>>
    %dma_wait3A_37 = arith.constant 0 : i32
    %dma_wait3A_38 = arith.constant 0 : i32
    %dma_wait3A_39 = tpu.memref_slice %arg2[%dma_wait3A_37, %dma_wait3A_38] : memref<5632x1024xf32, #tpu.memory_space<hbm>> -> memref<5632x1024xf32, #tpu.memory_space<hbm>>
    tpu.wait_indirect_dma semaphore(%arg8 : memref<!tpu.dma_semaphore, #tpu.memory_space<semaphore_mem>>) src(%dma_wait3A_39 : memref<5632x1024xf32, #tpu.memory_space<hbm>>) dst(%arg6 : memref<32x1024xf32, #tpu.memory_space<vmem>>)
    %add3A_40 = arith.constant 64 : i32
    %add3A_41 = arith.addi %mul3A_2, %add3A_40 : i32
    "tpu.region"() ({
      %run_scoped3A = tpu.sem_alloc : memref<!tpu.dma_semaphore, #tpu.memory_space<semaphore_mem>>
      %dma_start3A_49 = arith.constant 0 : i32
      %dma_start3A_50 = tpu.memref_slice %arg4[%add3A_41, %dma_start3A_49] : memref<4096x1024xf32, #tpu.memory_space<hbm>> -> memref<32x1024xf32, #tpu.memory_space<hbm>>
      %dma_start3A_51 = arith.constant 0 : i32
      %dma_start3A_52 = tpu.memref_slice %arg4[%add3A_41, %dma_start3A_51] : memref<4096x1024xf32, #tpu.memory_space<hbm>> -> memref<32x1024xf32, #tpu.memory_space<hbm>>
      tpu.enqueue_dma source(%arg6 : memref<32x1024xf32, #tpu.memory_space<vmem>>) target(%dma_start3A_52 : memref<32x1024xf32, #tpu.memory_space<hbm>>) target_semaphore(%run_scoped3A : memref<!tpu.dma_semaphore, #tpu.memory_space<semaphore_mem>>)
      %dma_wait3A_53 = arith.constant 0 : i32
      %dma_wait3A_54 = tpu.memref_slice %arg4[%add3A_41, %dma_wait3A_53] : memref<4096x1024xf32, #tpu.memory_space<hbm>> -> memref<32x1024xf32, #tpu.memory_space<hbm>>
      %dma_wait3A_55 = arith.constant 0 : i32
      %dma_wait3A_56 = tpu.memref_slice %arg4[%add3A_41, %dma_wait3A_55] : memref<4096x1024xf32, #tpu.memory_space<hbm>> -> memref<32x1024xf32, #tpu.memory_space<hbm>>
      tpu.wait_dma2 semaphore(%run_scoped3A : memref<!tpu.dma_semaphore, #tpu.memory_space<semaphore_mem>>) src(%arg6 : memref<32x1024xf32, #tpu.memory_space<vmem>>) dst(%dma_wait3A_56 : memref<32x1024xf32, #tpu.memory_space<hbm>>)
      tpu.yield
    }) : () -> ()
    %dma_wait3A_42 = arith.constant 96 : i32
    %dma_wait3A_43 = tpu.memref_slice %arg5[%dma_wait3A_42] : memref<128xi32, #tpu.memory_space<vmem>> -> memref<32xi32, #tpu.memory_space<vmem>>
    %dma_wait3A_44 = arith.constant 0 : i32
    %dma_wait3A_45 = arith.constant 0 : i32
    %dma_wait3A_46 = tpu.memref_slice %arg2[%dma_wait3A_44, %dma_wait3A_45] : memref<5632x1024xf32, #tpu.memory_space<hbm>> -> memref<5632x1024xf32, #tpu.memory_space<hbm>>
    tpu.wait_indirect_dma semaphore(%arg8 : memref<!tpu.dma_semaphore, #tpu.memory_space<semaphore_mem>>) src(%dma_wait3A_46 : memref<5632x1024xf32, #tpu.memory_space<hbm>>) dst(%arg7 : memref<32x1024xf32, #tpu.memory_space<vmem>>)
    %add3A_47 = arith.constant 96 : i32
    %add3A_48 = arith.addi %mul3A_2, %add3A_47 : i32
    "tpu.region"() ({
      %run_scoped3A = tpu.sem_alloc : memref<!tpu.dma_semaphore, #tpu.memory_space<semaphore_mem>>
      %dma_start3A_49 = arith.constant 0 : i32
      %dma_start3A_50 = tpu.memref_slice %arg4[%add3A_48, %dma_start3A_49] : memref<4096x1024xf32, #tpu.memory_space<hbm>> -> memref<32x1024xf32, #tpu.memory_space<hbm>>
      %dma_start3A_51 = arith.constant 0 : i32
      %dma_start3A_52 = tpu.memref_slice %arg4[%add3A_48, %dma_start3A_51] : memref<4096x1024xf32, #tpu.memory_space<hbm>> -> memref<32x1024xf32, #tpu.memory_space<hbm>>
      tpu.enqueue_dma source(%arg7 : memref<32x1024xf32, #tpu.memory_space<vmem>>) target(%dma_start3A_52 : memref<32x1024xf32, #tpu.memory_space<hbm>>) target_semaphore(%run_scoped3A : memref<!tpu.dma_semaphore, #tpu.memory_space<semaphore_mem>>)
      %dma_wait3A_53 = arith.constant 0 : i32
      %dma_wait3A_54 = tpu.memref_slice %arg4[%add3A_48, %dma_wait3A_53] : memref<4096x1024xf32, #tpu.memory_space<hbm>> -> memref<32x1024xf32, #tpu.memory_space<hbm>>
      %dma_wait3A_55 = arith.constant 0 : i32
      %dma_wait3A_56 = tpu.memref_slice %arg4[%add3A_48, %dma_wait3A_55] : memref<4096x1024xf32, #tpu.memory_space<hbm>> -> memref<32x1024xf32, #tpu.memory_space<hbm>>
      tpu.wait_dma2 semaphore(%run_scoped3A : memref<!tpu.dma_semaphore, #tpu.memory_space<semaphore_mem>>) src(%arg7 : memref<32x1024xf32, #tpu.memory_space<vmem>>) dst(%dma_wait3A_56 : memref<32x1024xf32, #tpu.memory_space<hbm>>)
      tpu.yield
    }) : () -> ()
    return
  }
}

#map = affine_map<(d0, d1) -> (0)>
module attributes {stable_mosaic.version = 14 : i64} {
  func.func @_scatter_kernel_fn(%arg0: i32, %arg1: i32, %arg2: memref<4096xi32, #tpu.memory_space<hbm>>, %arg3: memref<4096xf32, #tpu.memory_space<hbm>>, %arg4: memref<5632xi32, #tpu.memory_space<hbm>>, %arg5: memref<5632xf32, #tpu.memory_space<hbm>>, %arg6: memref<4096xi32, #tpu.memory_space<vmem>>, %arg7: memref<4096xf32, #tpu.memory_space<vmem>>, %arg8: memref<5632xi32, #tpu.memory_space<vmem>>, %arg9: memref<5632xf32, #tpu.memory_space<vmem>>) attributes {dimension_semantics = [#tpu.dimension_semantics<core_parallel>, #tpu.dimension_semantics<subcore_parallel>], iteration_bounds = array<i64: 2, 16>, scalar_prefetch = 0 : i64, scratch_operands = 4 : i64, tpu.core_type = #tpu.core_type<sc_vector_subcore>, window_params = [{transform_indices = #map}, {transform_indices = #map}, {transform_indices = #map}, {transform_indices = #map}]} {
    %mul3A = arith.constant 2 : i32
    %mul3A_0 = arith.muli %arg1, %mul3A : i32
    %add3A = arith.addi %mul3A_0, %arg0 : i32
    %eq3A = arith.constant 0 : i32
    %eq3A_1 = arith.cmpi eq, %add3A, %eq3A : i32
    %convert_element_type3A = arith.extui %eq3A_1 : i1 to i32
    %cond3A = arith.constant 0 : i32
    %cond3A_2 = arith.cmpi ne, %convert_element_type3A, %cond3A : i32
    scf.if %cond3A_2 {
      "tpu.region"() ({
        %run_scoped3A = tpu.sem_alloc : memref<!tpu.dma_semaphore, #tpu.memory_space<semaphore_mem>>
        tpu.enqueue_dma source(%arg2 : memref<4096xi32, #tpu.memory_space<hbm>>) target(%arg6 : memref<4096xi32, #tpu.memory_space<vmem>>) target_semaphore(%run_scoped3A : memref<!tpu.dma_semaphore, #tpu.memory_space<semaphore_mem>>)
        tpu.wait_dma2 semaphore(%run_scoped3A : memref<!tpu.dma_semaphore, #tpu.memory_space<semaphore_mem>>) src(%arg2 : memref<4096xi32, #tpu.memory_space<hbm>>) dst(%arg6 : memref<4096xi32, #tpu.memory_space<vmem>>)
        tpu.yield
      }) : () -> ()
      "tpu.region"() ({
        %run_scoped3A = tpu.sem_alloc : memref<!tpu.dma_semaphore, #tpu.memory_space<semaphore_mem>>
        tpu.enqueue_dma source(%arg3 : memref<4096xf32, #tpu.memory_space<hbm>>) target(%arg7 : memref<4096xf32, #tpu.memory_space<vmem>>) target_semaphore(%run_scoped3A : memref<!tpu.dma_semaphore, #tpu.memory_space<semaphore_mem>>)
        tpu.wait_dma2 semaphore(%run_scoped3A : memref<!tpu.dma_semaphore, #tpu.memory_space<semaphore_mem>>) src(%arg3 : memref<4096xf32, #tpu.memory_space<hbm>>) dst(%arg7 : memref<4096xf32, #tpu.memory_space<vmem>>)
        tpu.yield
      }) : () -> ()
      %iota3A = tpu.iota {dimensions = array<i32: 0>} : vector<16xi32>
      %shift_right_logical3A = arith.constant 1 : i32
      %shift_right_logical3A_3 = vector.broadcast %shift_right_logical3A : i32 to vector<16xi32>
      %shift_right_logical3A_4 = arith.shrui %iota3A, %shift_right_logical3A_3 : vector<16xi32>
      %broadcast_in_dim3A = arith.constant 0.000000e+00 : f32
      %broadcast_in_dim3A_5 = vector.broadcast %broadcast_in_dim3A : f32 to vector<16xf32>
      %scan3A = arith.constant 0 : i32
      %scan3A_6 = arith.constant 0 : i32
      %scan3A_7 = arith.constant 352 : i32
      %scan3A_8 = arith.addi %scan3A_6, %scan3A_7 : i32
      %scan3A_9 = arith.constant 1 : i32
      scf.for %scan3A_17 = %scan3A_6 to %scan3A_8 step %scan3A_9  : i32 {
        %mul3A_18 = arith.constant 16 : i32
        %mul3A_19 = arith.muli %scan3A_17, %mul3A_18 : i32
        %add3A_20 = vector.broadcast %mul3A_19 : i32 to vector<16xi32>
        %add3A_21 = arith.addi %iota3A, %add3A_20 : vector<16xi32>
        %and3A = arith.constant 2047 : i32
        %and3A_22 = vector.broadcast %and3A : i32 to vector<16xi32>
        %and3A_23 = arith.andi %add3A_21, %and3A_22 : vector<16xi32>
        %mul3A_24 = arith.constant 16 : i32
        %mul3A_25 = arith.muli %scan3A_17, %mul3A_24 : i32
        %swap3A = arith.index_cast %mul3A_25 : i32 to index
        %swap3A_26 = tpu.vector_load %arg8[%swap3A] {strides = array<i32>} : memref<5632xi32, #tpu.memory_space<vmem>>, vector<16xi32>,
        tpu.vector_store %arg8[%swap3A], %and3A_23 {strides = array<i32>} : memref<5632xi32, #tpu.memory_space<vmem>>, vector<16xi32>,
        %mul3A_27 = arith.constant 16 : i32
        %mul3A_28 = arith.muli %scan3A_17, %mul3A_27 : i32
        %swap3A_29 = arith.index_cast %mul3A_28 : i32 to index
        %swap3A_30 = tpu.vector_load %arg9[%swap3A_29] {strides = array<i32>} : memref<5632xf32, #tpu.memory_space<vmem>>, vector<16xf32>,
        tpu.vector_store %arg9[%swap3A_29], %broadcast_in_dim3A_5 {strides = array<i32>} : memref<5632xf32, #tpu.memory_space<vmem>>, vector<16xf32>,
      }
      %scan3A_10 = arith.constant 352 : i32
      %scan3A_11 = arith.constant 0 : i32
      %scan3A_12 = arith.constant 0 : i32
      %scan3A_13 = arith.constant 256 : i32
      %scan3A_14 = arith.addi %scan3A_12, %scan3A_13 : i32
      %scan3A_15 = arith.constant 1 : i32
      scf.for %scan3A_17 = %scan3A_12 to %scan3A_14 step %scan3A_15  : i32 {
        %mul3A_18 = arith.constant 16 : i32
        %mul3A_19 = arith.muli %scan3A_17, %mul3A_18 : i32
        %get3A = arith.index_cast %mul3A_19 : i32 to index
        %get3A_20 = tpu.vector_load %arg6[%get3A] {strides = array<i32>} : memref<4096xi32, #tpu.memory_space<vmem>>, vector<16xi32>,
        %get3A_21 = arith.index_cast %mul3A_19 : i32 to index
        %get3A_22 = tpu.vector_load %arg7[%get3A_21] {strides = array<i32>} : memref<4096xf32, #tpu.memory_space<vmem>>, vector<16xf32>,
        %mul3A_23 = arith.constant 8 : i32
        %mul3A_24 = arith.muli %scan3A_17, %mul3A_23 : i32
        %add3A_25 = vector.broadcast %mul3A_24 : i32 to vector<16xi32>
        %add3A_26 = arith.addi %shift_right_logical3A_4, %add3A_25 : vector<16xi32>
        tpu.vector_store_idx %arg8[%get3A_20], %add3A_26 : memref<5632xi32, #tpu.memory_space<vmem>>[vector<16xi32>], vector<16xi32>,
        tpu.vector_store_idx %arg9[%get3A_20], %get3A_22 : memref<5632xf32, #tpu.memory_space<vmem>>[vector<16xi32>], vector<16xf32>,
      }
      %scan3A_16 = arith.constant 256 : i32
      "tpu.region"() ({
        %run_scoped3A = tpu.sem_alloc : memref<!tpu.dma_semaphore, #tpu.memory_space<semaphore_mem>>
        tpu.enqueue_dma source(%arg8 : memref<5632xi32, #tpu.memory_space<vmem>>) target(%arg4 : memref<5632xi32, #tpu.memory_space<hbm>>) target_semaphore(%run_scoped3A : memref<!tpu.dma_semaphore, #tpu.memory_space<semaphore_mem>>)
        tpu.wait_dma2 semaphore(%run_scoped3A : memref<!tpu.dma_semaphore, #tpu.memory_space<semaphore_mem>>) src(%arg8 : memref<5632xi32, #tpu.memory_space<vmem>>) dst(%arg4 : memref<5632xi32, #tpu.memory_space<hbm>>)
        tpu.yield
      }) : () -> ()
      "tpu.region"() ({
        %run_scoped3A = tpu.sem_alloc : memref<!tpu.dma_semaphore, #tpu.memory_space<semaphore_mem>>
        tpu.enqueue_dma source(%arg9 : memref<5632xf32, #tpu.memory_space<vmem>>) target(%arg5 : memref<5632xf32, #tpu.memory_space<hbm>>) target_semaphore(%run_scoped3A : memref<!tpu.dma_semaphore, #tpu.memory_space<semaphore_mem>>)
        tpu.wait_dma2 semaphore(%run_scoped3A : memref<!tpu.dma_semaphore, #tpu.memory_space<semaphore_mem>>) src(%arg9 : memref<5632xf32, #tpu.memory_space<vmem>>) dst(%arg5 : memref<5632xf32, #tpu.memory_space<hbm>>)
        tpu.yield
      }) : () -> ()
    } else {
    }
    return
  }
}

module attributes {stable_mosaic.version = 14 : i64} {
  func.func @_router_body(%arg0: memref<2048x1024xf32, #tpu.memory_space<vmem>>, %arg1: memref<7x1024xf32, #tpu.memory_space<vmem>>, %arg2: memref<2048x2xi32, #tpu.memory_space<vmem>>, %arg3: memref<2048x2xf32, #tpu.memory_space<vmem>>, %arg4: memref<32x2xi32, #tpu.memory_space<vmem>>) attributes {dimension_semantics = [], scalar_prefetch = 0 : i64, scratch_operands = 0 : i64, tpu.core_type = #tpu.core_type<tc>} {
    %get3A = arith.constant 0 : index
    %get3A_0 = arith.constant 0 : index
    %get3A_1 = vector.load %arg0[%get3A, %get3A_0] : memref<2048x1024xf32, #tpu.memory_space<vmem>>, vector<2048x1024xf32>
    %get3A_2 = arith.constant 0 : index
    %get3A_3 = arith.constant 0 : index
    %get3A_4 = vector.load %arg1[%get3A_2, %get3A_3] : memref<7x1024xf32, #tpu.memory_space<vmem>>, vector<7x1024xf32>
    %dot_general3A = arith.constant dense<0.000000e+00> : vector<2048x7xf32>
    %dot_general3A_5 = tpu.matmul %get3A_1, %get3A_4, %dot_general3A {dimension_numbers = #tpu.dot_dimension_numbers<[1], [1], [0], [0], [0, 0, 1, 0], [], []>, transpose_lhs_hint = false} : vector<2048x1024xf32>, vector<7x1024xf32>, vector<2048x7xf32> -> vector<2048x7xf32>
    %reduce_max3A = arith.constant dense<0xFF800000> : vector<2048xf32>
    %reduce_max3A_6 = vector.multi_reduction <maximumf>, %dot_general3A_5, %reduce_max3A [1] : vector<2048x7xf32> to vector<2048xf32>
    %broadcast_in_dim3A = vector.shape_cast %reduce_max3A_6 : vector<2048xf32> to vector<2048x1xf32>
    %sub3A = vector.broadcast %broadcast_in_dim3A : vector<2048x1xf32> to vector<2048x7xf32>
    %sub3A_7 = arith.subf %dot_general3A_5, %sub3A : vector<2048x7xf32>
    %exp3A = math.exp %sub3A_7 : vector<2048x7xf32>
    %reduce_sum3A = arith.constant dense<0.000000e+00> : vector<2048xf32>
    %reduce_sum3A_8 = vector.multi_reduction <add>, %exp3A, %reduce_sum3A [1] : vector<2048x7xf32> to vector<2048xf32>
    %broadcast_in_dim3A_9 = vector.shape_cast %reduce_sum3A_8 : vector<2048xf32> to vector<2048x1xf32>
    %div3A = vector.broadcast %broadcast_in_dim3A_9 : vector<2048x1xf32> to vector<2048x7xf32>
    %div3A_10 = arith.divf %exp3A, %div3A : vector<2048x7xf32>
    %iota3A = tpu.iota {dimensions = array<i32: 1>} : vector<2048x7xi32>
    %reduce_max3A_11 = arith.constant dense<0xFF800000> : vector<2048xf32>
    %reduce_max3A_12 = vector.multi_reduction <maximumf>, %div3A_10, %reduce_max3A_11 [1] : vector<2048x7xf32> to vector<2048xf32>
    %broadcast_in_dim3A_13 = vector.shape_cast %reduce_max3A_12 : vector<2048xf32> to vector<2048x1xf32>
    %eq3A = vector.broadcast %broadcast_in_dim3A_13 : vector<2048x1xf32> to vector<2048x7xf32>
    %eq3A_14 = arith.cmpf oeq, %div3A_10, %eq3A : vector<2048x7xf32>
    %jit3A = arith.constant 7 : i32
    %broadcast_in_dim3A_15 = vector.broadcast %jit3A : i32 to vector<2048x7xi32>
    %select_n3A = arith.select %eq3A_14, %iota3A, %broadcast_in_dim3A_15 : vector<2048x7xi1>, vector<2048x7xi32>
    %reduce_min3A = arith.constant dense<2147483647> : vector<2048xi32>
    %reduce_min3A_16 = vector.multi_reduction <minsi>, %select_n3A, %reduce_min3A [1] : vector<2048x7xi32> to vector<2048xi32>
    %broadcast_in_dim3A_17 = vector.shape_cast %reduce_min3A_16 : vector<2048xi32> to vector<2048x1xi32>
    %eq3A_18 = vector.broadcast %broadcast_in_dim3A_17 : vector<2048x1xi32> to vector<2048x7xi32>
    %eq3A_19 = arith.cmpi eq, %iota3A, %eq3A_18 : vector<2048x7xi32>
    %jit3A_20 = arith.constant 0xFF800000 : f32
    %broadcast_in_dim3A_21 = vector.broadcast %jit3A_20 : f32 to vector<2048x7xf32>
    %select_n3A_22 = arith.select %eq3A_19, %broadcast_in_dim3A_21, %div3A_10 : vector<2048x7xi1>, vector<2048x7xf32>
    %reduce_max3A_23 = arith.constant dense<0xFF800000> : vector<2048xf32>
    %reduce_max3A_24 = vector.multi_reduction <maximumf>, %select_n3A_22, %reduce_max3A_23 [1] : vector<2048x7xf32> to vector<2048xf32>
    %broadcast_in_dim3A_25 = vector.shape_cast %reduce_max3A_24 : vector<2048xf32> to vector<2048x1xf32>
    %eq3A_26 = vector.broadcast %broadcast_in_dim3A_25 : vector<2048x1xf32> to vector<2048x7xf32>
    %eq3A_27 = arith.cmpf oeq, %select_n3A_22, %eq3A_26 : vector<2048x7xf32>
    %jit3A_28 = arith.constant 7 : i32
    %broadcast_in_dim3A_29 = vector.broadcast %jit3A_28 : i32 to vector<2048x7xi32>
    %select_n3A_30 = arith.select %eq3A_27, %iota3A, %broadcast_in_dim3A_29 : vector<2048x7xi1>, vector<2048x7xi32>
    %reduce_min3A_31 = arith.constant dense<2147483647> : vector<2048xi32>
    %reduce_min3A_32 = vector.multi_reduction <minsi>, %select_n3A_30, %reduce_min3A_31 [1] : vector<2048x7xi32> to vector<2048xi32>
    %broadcast_in_dim3A_33 = vector.shape_cast %reduce_min3A_32 : vector<2048xi32> to vector<2048x1xi32>
    %add3A = arith.addf %broadcast_in_dim3A_13, %broadcast_in_dim3A_25 : vector<2048x1xf32>
    %add3A_34 = arith.constant 9.99999971E-10 : f32
    %add3A_35 = vector.broadcast %add3A_34 : f32 to vector<2048x1xf32>
    %add3A_36 = arith.addf %add3A, %add3A_35 : vector<2048x1xf32>
    %div3A_37 = arith.divf %broadcast_in_dim3A_13, %add3A_36 : vector<2048x1xf32>
    %div3A_38 = arith.divf %broadcast_in_dim3A_25, %add3A_36 : vector<2048x1xf32>
    %concatenate3A = tpu.concatenate %div3A_37, %div3A_38 in 1 : vector<2048x1xf32>, vector<2048x1xf32> -> vector<2048x2xf32>
    %swap3A = arith.constant 0 : index
    %swap3A_39 = arith.constant 0 : index
    %swap3A_40 = vector.load %arg3[%swap3A, %swap3A_39] : memref<2048x2xf32, #tpu.memory_space<vmem>>, vector<2048x2xf32>
    tpu.vector_store %arg3[%swap3A, %swap3A_39], %concatenate3A {strides = array<i32>} : memref<2048x2xf32, #tpu.memory_space<vmem>>, vector<2048x2xf32>,
    %eq3A_41 = vector.broadcast %broadcast_in_dim3A_17 : vector<2048x1xi32> to vector<2048x7xi32>
    %eq3A_42 = arith.cmpi eq, %iota3A, %eq3A_41 : vector<2048x7xi32>
    %convert_element_type3A = arith.extui %eq3A_42 : vector<2048x7xi1> to vector<2048x7xi32>
    %convert_element_type3A_43 = arith.sitofp %convert_element_type3A : vector<2048x7xi32> to vector<2048x7xf32>
    %eq3A_44 = vector.broadcast %broadcast_in_dim3A_33 : vector<2048x1xi32> to vector<2048x7xi32>
    %eq3A_45 = arith.cmpi eq, %iota3A, %eq3A_44 : vector<2048x7xi32>
    %convert_element_type3A_46 = arith.extui %eq3A_45 : vector<2048x7xi1> to vector<2048x7xi32>
    %convert_element_type3A_47 = arith.sitofp %convert_element_type3A_46 : vector<2048x7xi32> to vector<2048x7xf32>
    %add3A_48 = arith.addf %convert_element_type3A_43, %convert_element_type3A_47 : vector<2048x7xf32>
    %iota3A_49 = tpu.iota {dimensions = array<i32: 0>} : vector<2048x2048xi32>
    %iota3A_50 = tpu.iota {dimensions = array<i32: 1>} : vector<2048x2048xi32>
    %lt3A = arith.cmpi slt, %iota3A_50, %iota3A_49 : vector<2048x2048xi32>
    %convert_element_type3A_51 = arith.extui %lt3A : vector<2048x2048xi1> to vector<2048x2048xi32>
    %convert_element_type3A_52 = arith.sitofp %convert_element_type3A_51 : vector<2048x2048xi32> to vector<2048x2048xf32>
    %dot_general3A_53 = arith.constant dense<0.000000e+00> : vector<2048x7xf32>
    %dot_general3A_54 = tpu.matmul %convert_element_type3A_52, %add3A_48, %dot_general3A_53 {dimension_numbers = #tpu.dot_dimension_numbers<[1], [0], [0], [1], [0, 0, 1, 1], [], []>, transpose_lhs_hint = false} : vector<2048x2048xf32>, vector<2048x7xf32>, vector<2048x7xf32> -> vector<2048x7xf32>
    %reduce_sum3A_55 = arith.constant dense<0.000000e+00> : vector<7xf32>
    %reduce_sum3A_56 = vector.multi_reduction <add>, %add3A_48, %reduce_sum3A_55 [0] : vector<2048x7xf32> to vector<7xf32>
    %broadcast_in_dim3A_57 = vector.shape_cast %reduce_sum3A_56 : vector<7xf32> to vector<1x7xf32>
    %add3A_58 = arith.constant 2.550000e+02 : f32
    %add3A_59 = vector.broadcast %add3A_58 : f32 to vector<1x7xf32>
    %add3A_60 = arith.addf %broadcast_in_dim3A_57, %add3A_59 : vector<1x7xf32>
    %mul3A = arith.constant 3.906250e-03 : f32
    %mul3A_61 = vector.broadcast %mul3A : f32 to vector<1x7xf32>
    %mul3A_62 = arith.mulf %add3A_60, %mul3A_61 : vector<1x7xf32>
    %floor3A = math.floor %mul3A_62 : vector<1x7xf32>
    %iota3A_63 = tpu.iota {dimensions = array<i32: 0>} : vector<7x7xi32>
    %iota3A_64 = tpu.iota {dimensions = array<i32: 1>} : vector<7x7xi32>
    %le3A = arith.cmpi sle, %iota3A_64, %iota3A_63 : vector<7x7xi32>
    %convert_element_type3A_65 = arith.extui %le3A : vector<7x7xi1> to vector<7x7xi32>
    %convert_element_type3A_66 = arith.sitofp %convert_element_type3A_65 : vector<7x7xi32> to vector<7x7xf32>
    %dot_general3A_67 = arith.constant dense<0.000000e+00> : vector<1x7xf32>
    %dot_general3A_68 = tpu.matmul %floor3A, %convert_element_type3A_66, %dot_general3A_67 {dimension_numbers = #tpu.dot_dimension_numbers<[1], [1], [0], [0], [0, 0, 1, 0], [], []>, transpose_lhs_hint = false} : vector<1x7xf32>, vector<7x7xf32>, vector<1x7xf32> -> vector<1x7xf32>
    %sub3A_69 = arith.subf %dot_general3A_68, %floor3A : vector<1x7xf32>
    %mul3A_70 = arith.constant 2.560000e+02 : f32
    %mul3A_71 = vector.broadcast %mul3A_70 : f32 to vector<1x7xf32>
    %mul3A_72 = arith.mulf %mul3A_71, %sub3A_69 : vector<1x7xf32>
    %add3A_73 = vector.broadcast %mul3A_72 : vector<1x7xf32> to vector<2048x7xf32>
    %add3A_74 = arith.addf %add3A_73, %dot_general3A_54 : vector<2048x7xf32>
    %mul3A_75 = arith.mulf %convert_element_type3A_43, %add3A_74 : vector<2048x7xf32>
    %reduce_sum3A_76 = arith.constant dense<0.000000e+00> : vector<2048xf32>
    %reduce_sum3A_77 = vector.multi_reduction <add>, %mul3A_75, %reduce_sum3A_76 [1] : vector<2048x7xf32> to vector<2048xf32>
    %broadcast_in_dim3A_78 = vector.shape_cast %reduce_sum3A_77 : vector<2048xf32> to vector<2048x1xf32>
    %add3A_79 = vector.broadcast %mul3A_72 : vector<1x7xf32> to vector<2048x7xf32>
    %add3A_80 = arith.addf %add3A_79, %dot_general3A_54 : vector<2048x7xf32>
    %mul3A_81 = arith.mulf %convert_element_type3A_47, %add3A_80 : vector<2048x7xf32>
    %reduce_sum3A_82 = arith.constant dense<0.000000e+00> : vector<2048xf32>
    %reduce_sum3A_83 = vector.multi_reduction <add>, %mul3A_81, %reduce_sum3A_82 [1] : vector<2048x7xf32> to vector<2048xf32>
    %broadcast_in_dim3A_84 = vector.shape_cast %reduce_sum3A_83 : vector<2048xf32> to vector<2048x1xf32>
    %concatenate3A_85 = tpu.concatenate %broadcast_in_dim3A_78, %broadcast_in_dim3A_84 in 1 : vector<2048x1xf32>, vector<2048x1xf32> -> vector<2048x2xf32>
    %convert_element_type3A_86 = arith.fptosi %concatenate3A_85 : vector<2048x2xf32> to vector<2048x2xi32>
    %swap3A_87 = arith.constant 0 : index
    %swap3A_88 = arith.constant 0 : index
    %swap3A_89 = vector.load %arg2[%swap3A_87, %swap3A_88] : memref<2048x2xi32, #tpu.memory_space<vmem>>, vector<2048x2xi32>
    tpu.vector_store %arg2[%swap3A_87, %swap3A_88], %convert_element_type3A_86 {strides = array<i32>} : memref<2048x2xi32, #tpu.memory_space<vmem>>, vector<2048x2xi32>,
    %iota3A_90 = tpu.iota {dimensions = array<i32: 0>} : vector<32x7xi32>
    %reduce_sum3A_91 = arith.constant dense<0.000000e+00> : vector<1xf32>
    %reduce_sum3A_92 = vector.multi_reduction <add>, %floor3A, %reduce_sum3A_91 [1] : vector<1x7xf32> to vector<1xf32>
    %broadcast_in_dim3A_93 = vector.shape_cast %reduce_sum3A_92 : vector<1xf32> to vector<1x1xf32>
    %convert_element_type3A_94 = arith.fptosi %broadcast_in_dim3A_93 : vector<1x1xf32> to vector<1x1xi32>
    %convert_element_type3A_95 = arith.fptosi %dot_general3A_68 : vector<1x7xf32> to vector<1x7xi32>
    %iota3A_96 = tpu.iota {dimensions = array<i32: 0>} : vector<32x1xi32>
    %ge3A = vector.broadcast %convert_element_type3A_95 : vector<1x7xi32> to vector<32x7xi32>
    %ge3A_97 = arith.cmpi sge, %iota3A_90, %ge3A : vector<32x7xi32>
    %convert_element_type3A_98 = arith.extui %ge3A_97 : vector<32x7xi1> to vector<32x7xi32>
    %reduce_sum3A_99 = arith.constant dense<0> : vector<32xi32>
    %reduce_sum3A_100 = vector.multi_reduction <add>, %convert_element_type3A_98, %reduce_sum3A_99 [1] : vector<32x7xi32> to vector<32xi32>
    %broadcast_in_dim3A_101 = vector.shape_cast %reduce_sum3A_100 : vector<32xi32> to vector<32x1xi32>
    %add3A_102 = arith.constant 1 : i32
    %add3A_103 = vector.broadcast %add3A_102 : i32 to vector<32x1xi32>
    %add3A_104 = arith.addi %broadcast_in_dim3A_101, %add3A_103 : vector<32x1xi32>
    %min3A = arith.constant 7 : i32
    %min3A_105 = vector.broadcast %min3A : i32 to vector<32x1xi32>
    %min3A_106 = arith.minsi %add3A_104, %min3A_105 : vector<32x1xi32>
    %lt3A_107 = vector.broadcast %convert_element_type3A_94 : vector<1x1xi32> to vector<32x1xi32>
    %lt3A_108 = arith.cmpi slt, %iota3A_96, %lt3A_107 : vector<32x1xi32>
    %convert_element_type3A_109 = arith.extui %lt3A_108 : vector<32x1xi1> to vector<32x1xi32>
    %concatenate3A_110 = tpu.concatenate %min3A_106, %convert_element_type3A_109 in 1 : vector<32x1xi32>, vector<32x1xi32> -> vector<32x2xi32>
    %swap3A_111 = arith.constant 0 : index
    %swap3A_112 = arith.constant 0 : index
    %swap3A_113 = vector.load %arg4[%swap3A_111, %swap3A_112] : memref<32x2xi32, #tpu.memory_space<vmem>>, vector<32x2xi32>
    tpu.vector_store %arg4[%swap3A_111, %swap3A_112], %concatenate3A_110 {strides = array<i32>} : memref<32x2xi32, #tpu.memory_space<vmem>>, vector<32x2xi32>,
    return
  }
}

module attributes {stable_mosaic.version = 14 : i64} {
  func.func @_gffn_body(%arg0: i32, %arg1: memref<32xi32, #tpu.memory_space<smem>>, %arg2: memref<32xi32, #tpu.memory_space<smem>>, %arg3: memref<1x1x256xf32, #tpu.memory_space<vmem>>, %arg4: memref<256x1024xf32, #tpu.memory_space<vmem>>, %arg5: memref<1x2048x1024xbf16, #tpu.memory_space<vmem>>, %arg6: memref<1x2048x1024xbf16, #tpu.memory_space<vmem>>, %arg7: memref<1x1024x2048xbf16, #tpu.memory_space<vmem>>, %arg8: memref<256x1024xf32, #tpu.memory_space<vmem>>) attributes {dimension_semantics = [#tpu.dimension_semantics<arbitrary>], iteration_bounds = array<i64: 22>, scalar_prefetch = 2 : i64, scratch_operands = 0 : i64, tpu.core_type = #tpu.core_type<tc>, window_params = [{transform_indices = @transform_0, window_bounds = array<i64: 1, 1, 256>}, {transform_indices = @transform_1, window_bounds = array<i64: 256, 1024>}, {transform_indices = @transform_2, window_bounds = array<i64: 1, 2048, 1024>}, {transform_indices = @transform_3, window_bounds = array<i64: 1, 2048, 1024>}, {transform_indices = @transform_4, window_bounds = array<i64: 1, 1024, 2048>}, {transform_indices = @transform_5, window_bounds = array<i64: 256, 1024>}]} {
    %get3A = arith.index_cast %arg0 : i32 to index
    %get3A_0 = memref.load %arg2[%get3A] : memref<32xi32, #tpu.memory_space<smem>>
    %eq3A = arith.constant 1 : i32
    %eq3A_1 = arith.cmpi eq, %get3A_0, %eq3A : i32
    %convert_element_type3A = arith.extui %eq3A_1 : i1 to i32
    %cond3A = arith.constant 0 : i32
    %cond3A_2 = arith.cmpi ne, %convert_element_type3A, %cond3A : i32
    scf.if %cond3A_2 {
      %get3A_3 = arith.constant 0 : index
      %get3A_4 = arith.constant 0 : index
      %get3A_5 = vector.load %arg4[%get3A_3, %get3A_4] : memref<256x1024xf32, #tpu.memory_space<vmem>>, vector<256x1024xf32>
      %convert_element_type3A_6 = arith.truncf %get3A_5 : vector<256x1024xf32> to vector<256x1024xbf16>
      %get3A_7 = arith.constant 0 : index
      %get3A_8 = arith.constant 0 : index
      %get3A_9 = arith.constant 0 : index
      %get3A_10 = vector.load %arg5[%get3A_7, %get3A_8, %get3A_9] : memref<1x2048x1024xbf16, #tpu.memory_space<vmem>>, vector<1x2048x1024xbf16>
      %get3A_11 = vector.shape_cast %get3A_10 : vector<1x2048x1024xbf16> to vector<2048x1024xbf16>
      %dot_general3A = arith.constant dense<0.000000e+00> : vector<256x2048xf32>
      %dot_general3A_12 = tpu.matmul %convert_element_type3A_6, %get3A_11, %dot_general3A {dimension_numbers = #tpu.dot_dimension_numbers<[1], [1], [0], [0], [0, 0, 1, 0], [], []>, transpose_lhs_hint = false} : vector<256x1024xbf16>, vector<2048x1024xbf16>, vector<256x2048xf32> -> vector<256x2048xf32>
      %get3A_13 = arith.constant 0 : index
      %get3A_14 = arith.constant 0 : index
      %get3A_15 = arith.constant 0 : index
      %get3A_16 = vector.load %arg6[%get3A_13, %get3A_14, %get3A_15] : memref<1x2048x1024xbf16, #tpu.memory_space<vmem>>, vector<1x2048x1024xbf16>
      %get3A_17 = vector.shape_cast %get3A_16 : vector<1x2048x1024xbf16> to vector<2048x1024xbf16>
      %dot_general3A_18 = arith.constant dense<0.000000e+00> : vector<256x2048xf32>
      %dot_general3A_19 = tpu.matmul %convert_element_type3A_6, %get3A_17, %dot_general3A_18 {dimension_numbers = #tpu.dot_dimension_numbers<[1], [1], [0], [0], [0, 0, 1, 0], [], []>, transpose_lhs_hint = false} : vector<256x1024xbf16>, vector<2048x1024xbf16>, vector<256x2048xf32> -> vector<256x2048xf32>
      %logistic3A = arith.negf %dot_general3A_19 : vector<256x2048xf32>
      %logistic3A_20 = math.exp %logistic3A : vector<256x2048xf32>
      %logistic3A_21 = arith.constant 1.000000e+00 : f32
      %logistic3A_22 = vector.broadcast %logistic3A_21 : f32 to vector<256x2048xf32>
      %logistic3A_23 = arith.addf %logistic3A_22, %logistic3A_20 : vector<256x2048xf32>
      %logistic3A_24 = arith.divf %logistic3A_22, %logistic3A_23 : vector<256x2048xf32>
      %mul3A = arith.mulf %dot_general3A_19, %logistic3A_24 : vector<256x2048xf32>
      %mul3A_25 = arith.mulf %mul3A, %dot_general3A_12 : vector<256x2048xf32>
      %get3A_26 = arith.constant 0 : index
      %get3A_27 = arith.constant 0 : index
      %get3A_28 = arith.constant 0 : index
      %get3A_29 = vector.load %arg3[%get3A_26, %get3A_27, %get3A_28] : memref<1x1x256xf32, #tpu.memory_space<vmem>>, vector<1x1x256xf32>
      %get3A_30 = vector.shape_cast %get3A_29 : vector<1x1x256xf32> to vector<256xf32>
      %broadcast_in_dim3A = vector.shape_cast %get3A_30 : vector<256xf32> to vector<256x1xf32>
      %mul3A_31 = vector.broadcast %broadcast_in_dim3A : vector<256x1xf32> to vector<256x2048xf32>
      %mul3A_32 = arith.mulf %mul3A_25, %mul3A_31 : vector<256x2048xf32>
      %convert_element_type3A_33 = arith.truncf %mul3A_32 : vector<256x2048xf32> to vector<256x2048xbf16>
      %get3A_34 = arith.constant 0 : index
      %get3A_35 = arith.constant 0 : index
      %get3A_36 = arith.constant 0 : index
      %get3A_37 = vector.load %arg7[%get3A_34, %get3A_35, %get3A_36] : memref<1x1024x2048xbf16, #tpu.memory_space<vmem>>, vector<1x1024x2048xbf16>
      %get3A_38 = vector.shape_cast %get3A_37 : vector<1x1024x2048xbf16> to vector<1024x2048xbf16>
      %dot_general3A_39 = arith.constant dense<0.000000e+00> : vector<256x1024xf32>
      %dot_general3A_40 = tpu.matmul %convert_element_type3A_33, %get3A_38, %dot_general3A_39 {dimension_numbers = #tpu.dot_dimension_numbers<[1], [1], [0], [0], [0, 0, 1, 0], [], []>, transpose_lhs_hint = false} : vector<256x2048xbf16>, vector<1024x2048xbf16>, vector<256x1024xf32> -> vector<256x1024xf32>
      %swap3A = arith.constant 0 : index
      %swap3A_41 = arith.constant 0 : index
      %swap3A_42 = vector.load %arg8[%swap3A, %swap3A_41] : memref<256x1024xf32, #tpu.memory_space<vmem>>, vector<256x1024xf32>
      tpu.vector_store %arg8[%swap3A, %swap3A_41], %dot_general3A_40 {strides = array<i32>} : memref<256x1024xf32, #tpu.memory_space<vmem>>, vector<256x1024xf32>,
    } else {
    }
    return
  }
  func.func @transform_0(%arg0: i32, %arg1: memref<32xi32, #tpu.memory_space<smem>>, %arg2: memref<32xi32, #tpu.memory_space<smem>>) -> (i32, i32, i32) {
    %c0_i32 = arith.constant 0 : i32
    %c0_i32_0 = arith.constant 0 : i32
    %c0_i32_1 = arith.constant 0 : i32
    return %arg0, %c0_i32, %c0_i32_0 : i32, i32, i32
  }
  func.func @transform_1(%arg0: i32, %arg1: memref<32xi32, #tpu.memory_space<smem>>, %arg2: memref<32xi32, #tpu.memory_space<smem>>) -> (i32, i32) {
    %c0_i32 = arith.constant 0 : i32
    %c0_i32_0 = arith.constant 0 : i32
    return %arg0, %c0_i32 : i32, i32
  }
  func.func @transform_2(%arg0: i32, %arg1: memref<32xi32, #tpu.memory_space<smem>>, %arg2: memref<32xi32, #tpu.memory_space<smem>>) -> (i32, i32, i32) {
    %get3A = arith.index_cast %arg0 : i32 to index
    %get3A_0 = memref.load %arg1[%get3A] : memref<32xi32, #tpu.memory_space<smem>>
    %c0_i32 = arith.constant 0 : i32
    %c0_i32_1 = arith.constant 0 : i32
    %c0_i32_2 = arith.constant 0 : i32
    return %get3A_0, %c0_i32, %c0_i32_1 : i32, i32, i32
  }
  func.func @transform_3(%arg0: i32, %arg1: memref<32xi32, #tpu.memory_space<smem>>, %arg2: memref<32xi32, #tpu.memory_space<smem>>) -> (i32, i32, i32) {
    %get3A = arith.index_cast %arg0 : i32 to index
    %get3A_0 = memref.load %arg1[%get3A] : memref<32xi32, #tpu.memory_space<smem>>
    %c0_i32 = arith.constant 0 : i32
    %c0_i32_1 = arith.constant 0 : i32
    %c0_i32_2 = arith.constant 0 : i32
    return %get3A_0, %c0_i32, %c0_i32_1 : i32, i32, i32
  }
  func.func @transform_4(%arg0: i32, %arg1: memref<32xi32, #tpu.memory_space<smem>>, %arg2: memref<32xi32, #tpu.memory_space<smem>>) -> (i32, i32, i32) {
    %get3A = arith.index_cast %arg0 : i32 to index
    %get3A_0 = memref.load %arg1[%get3A] : memref<32xi32, #tpu.memory_space<smem>>
    %c0_i32 = arith.constant 0 : i32
    %c0_i32_1 = arith.constant 0 : i32
    %c0_i32_2 = arith.constant 0 : i32
    return %get3A_0, %c0_i32, %c0_i32_1 : i32, i32, i32
  }
  func.func @transform_5(%arg0: i32, %arg1: memref<32xi32, #tpu.memory_space<smem>>, %arg2: memref<32xi32, #tpu.memory_space<smem>>) -> (i32, i32) {
    %c0_i32 = arith.constant 0 : i32
    %c0_i32_0 = arith.constant 0 : i32
    return %arg0, %c0_i32 : i32, i32
  }
}

module attributes {stable_mosaic.version = 14 : i64} {
  func.func @_shared_body(%arg0: i32, %arg1: memref<512x1024xf32, #tpu.memory_space<vmem>>, %arg2: memref<2048x1024xbf16, #tpu.memory_space<vmem>>, %arg3: memref<2048x1024xbf16, #tpu.memory_space<vmem>>, %arg4: memref<1024x2048xbf16, #tpu.memory_space<vmem>>, %arg5: memref<512x1024xf32, #tpu.memory_space<vmem>>) attributes {dimension_semantics = [#tpu.dimension_semantics<arbitrary>], iteration_bounds = array<i64: 4>, scalar_prefetch = 0 : i64, scratch_operands = 0 : i64, tpu.core_type = #tpu.core_type<tc>, window_params = [{transform_indices = @transform_0, window_bounds = array<i64: 512, 1024>}, {pipeline_mode = #tpu.pipeline_mode<synchronous>, transform_indices = @transform_1, window_bounds = array<i64: 2048, 1024>}, {pipeline_mode = #tpu.pipeline_mode<synchronous>, transform_indices = @transform_2, window_bounds = array<i64: 2048, 1024>}, {pipeline_mode = #tpu.pipeline_mode<synchronous>, transform_indices = @transform_3, window_bounds = array<i64: 1024, 2048>}, {transform_indices = @transform_4, window_bounds = array<i64: 512, 1024>}]} {
    %get3A = arith.constant 0 : index
    %get3A_0 = arith.constant 0 : index
    %get3A_1 = vector.load %arg1[%get3A, %get3A_0] : memref<512x1024xf32, #tpu.memory_space<vmem>>, vector<512x1024xf32>
    %convert_element_type3A = arith.truncf %get3A_1 : vector<512x1024xf32> to vector<512x1024xbf16>
    %get3A_2 = arith.constant 0 : index
    %get3A_3 = arith.constant 0 : index
    %get3A_4 = vector.load %arg2[%get3A_2, %get3A_3] : memref<2048x1024xbf16, #tpu.memory_space<vmem>>, vector<2048x1024xbf16>
    %dot_general3A = arith.constant dense<0.000000e+00> : vector<512x2048xf32>
    %dot_general3A_5 = tpu.matmul %convert_element_type3A, %get3A_4, %dot_general3A {dimension_numbers = #tpu.dot_dimension_numbers<[1], [1], [0], [0], [0, 0, 1, 0], [], []>, transpose_lhs_hint = false} : vector<512x1024xbf16>, vector<2048x1024xbf16>, vector<512x2048xf32> -> vector<512x2048xf32>
    %get3A_6 = arith.constant 0 : index
    %get3A_7 = arith.constant 0 : index
    %get3A_8 = vector.load %arg3[%get3A_6, %get3A_7] : memref<2048x1024xbf16, #tpu.memory_space<vmem>>, vector<2048x1024xbf16>
    %dot_general3A_9 = arith.constant dense<0.000000e+00> : vector<512x2048xf32>
    %dot_general3A_10 = tpu.matmul %convert_element_type3A, %get3A_8, %dot_general3A_9 {dimension_numbers = #tpu.dot_dimension_numbers<[1], [1], [0], [0], [0, 0, 1, 0], [], []>, transpose_lhs_hint = false} : vector<512x1024xbf16>, vector<2048x1024xbf16>, vector<512x2048xf32> -> vector<512x2048xf32>
    %logistic3A = arith.negf %dot_general3A_10 : vector<512x2048xf32>
    %logistic3A_11 = math.exp %logistic3A : vector<512x2048xf32>
    %logistic3A_12 = arith.constant 1.000000e+00 : f32
    %logistic3A_13 = vector.broadcast %logistic3A_12 : f32 to vector<512x2048xf32>
    %logistic3A_14 = arith.addf %logistic3A_13, %logistic3A_11 : vector<512x2048xf32>
    %logistic3A_15 = arith.divf %logistic3A_13, %logistic3A_14 : vector<512x2048xf32>
    %mul3A = arith.mulf %dot_general3A_10, %logistic3A_15 : vector<512x2048xf32>
    %mul3A_16 = arith.mulf %mul3A, %dot_general3A_5 : vector<512x2048xf32>
    %convert_element_type3A_17 = arith.truncf %mul3A_16 : vector<512x2048xf32> to vector<512x2048xbf16>
    %get3A_18 = arith.constant 0 : index
    %get3A_19 = arith.constant 0 : index
    %get3A_20 = vector.load %arg4[%get3A_18, %get3A_19] : memref<1024x2048xbf16, #tpu.memory_space<vmem>>, vector<1024x2048xbf16>
    %dot_general3A_21 = arith.constant dense<0.000000e+00> : vector<512x1024xf32>
    %dot_general3A_22 = tpu.matmul %convert_element_type3A_17, %get3A_20, %dot_general3A_21 {dimension_numbers = #tpu.dot_dimension_numbers<[1], [1], [0], [0], [0, 0, 1, 0], [], []>, transpose_lhs_hint = false} : vector<512x2048xbf16>, vector<1024x2048xbf16>, vector<512x1024xf32> -> vector<512x1024xf32>
    %swap3A = arith.constant 0 : index
    %swap3A_23 = arith.constant 0 : index
    %swap3A_24 = vector.load %arg5[%swap3A, %swap3A_23] : memref<512x1024xf32, #tpu.memory_space<vmem>>, vector<512x1024xf32>
    tpu.vector_store %arg5[%swap3A, %swap3A_23], %dot_general3A_22 {strides = array<i32>} : memref<512x1024xf32, #tpu.memory_space<vmem>>, vector<512x1024xf32>,
    return
  }
  func.func @transform_0(%arg0: i32) -> (i32, i32) {
    %c0_i32 = arith.constant 0 : i32
    %c0_i32_0 = arith.constant 0 : i32
    return %arg0, %c0_i32 : i32, i32
  }
  func.func @transform_1(%arg0: i32) -> (i32, i32) {
    %c0_i32 = arith.constant 0 : i32
    %c0_i32_0 = arith.constant 0 : i32
    %c0_i32_1 = arith.constant 0 : i32
    return %c0_i32, %c0_i32_0 : i32, i32
  }
  func.func @transform_2(%arg0: i32) -> (i32, i32) {
    %c0_i32 = arith.constant 0 : i32
    %c0_i32_0 = arith.constant 0 : i32
    %c0_i32_1 = arith.constant 0 : i32
    return %c0_i32, %c0_i32_0 : i32, i32
  }
  func.func @transform_3(%arg0: i32) -> (i32, i32) {
    %c0_i32 = arith.constant 0 : i32
    %c0_i32_0 = arith.constant 0 : i32
    %c0_i32_1 = arith.constant 0 : i32
    return %c0_i32, %c0_i32_0 : i32, i32
  }
  func.func @transform_4(%arg0: i32) -> (i32, i32) {
    %c0_i32 = arith.constant 0 : i32
    %c0_i32_0 = arith.constant 0 : i32
    return %arg0, %c0_i32 : i32, i32
  }
}

module attributes {stable_mosaic.version = 14 : i64} {
  func.func @_combine_body(%arg0: i32, %arg1: memref<512x1024xf32, #tpu.memory_space<vmem>>, %arg2: memref<512x2048xf32, #tpu.memory_space<vmem>>, %arg3: memref<512x1024xf32, #tpu.memory_space<vmem>>) attributes {dimension_semantics = [#tpu.dimension_semantics<arbitrary>], iteration_bounds = array<i64: 4>, scalar_prefetch = 0 : i64, scratch_operands = 0 : i64, tpu.core_type = #tpu.core_type<tc>, window_params = [{transform_indices = @transform_0, window_bounds = array<i64: 512, 1024>}, {transform_indices = @transform_1, window_bounds = array<i64: 512, 2048>}, {transform_indices = @transform_2, window_bounds = array<i64: 512, 1024>}]} {
    %get3A = arith.constant 0 : index
    %get3A_0 = arith.constant 0 : index
    %get3A_1 = vector.load %arg1[%get3A, %get3A_0] : memref<512x1024xf32, #tpu.memory_space<vmem>>, vector<512x1024xf32>
    %get3A_2 = arith.constant 0 : index
    %get3A_3 = arith.constant 0 : index
    %get3A_4 = vector.load %arg2[%get3A_2, %get3A_3] : memref<512x2048xf32, #tpu.memory_space<vmem>>, vector<512x1024xf32>
    %add3A = arith.addf %get3A_1, %get3A_4 : vector<512x1024xf32>
    %get3A_5 = arith.constant 0 : index
    %get3A_6 = arith.constant 1024 : index
    %get3A_7 = vector.load %arg2[%get3A_5, %get3A_6] : memref<512x2048xf32, #tpu.memory_space<vmem>>, vector<512x1024xf32>
    %add3A_8 = arith.addf %add3A, %get3A_7 : vector<512x1024xf32>
    %swap3A = arith.constant 0 : index
    %swap3A_9 = arith.constant 0 : index
    %swap3A_10 = vector.load %arg3[%swap3A, %swap3A_9] : memref<512x1024xf32, #tpu.memory_space<vmem>>, vector<512x1024xf32>
    tpu.vector_store %arg3[%swap3A, %swap3A_9], %add3A_8 {strides = array<i32>} : memref<512x1024xf32, #tpu.memory_space<vmem>>, vector<512x1024xf32>,
    return
  }
  func.func @transform_0(%arg0: i32) -> (i32, i32) {
    %c0_i32 = arith.constant 0 : i32
    %c0_i32_0 = arith.constant 0 : i32
    return %arg0, %c0_i32 : i32, i32
  }
  func.func @transform_1(%arg0: i32) -> (i32, i32) {
    %c0_i32 = arith.constant 0 : i32
    %c0_i32_0 = arith.constant 0 : i32
    return %arg0, %c0_i32 : i32, i32
  }
  func.func @transform_2(%arg0: i32) -> (i32, i32) {
    %c0_i32 = arith.constant 0 : i32
    %c0_i32_0 = arith.constant 0 : i32
    return %arg0, %c0_i32 : i32, i32
  }
}

</mosaic_0001>

<sc_bundles>
// kernel: kernel.12.cloned.1.call-start
scs
__scs_entry_jumppad:
0x0: {  	(pc) =	sbr.rel $0x88, $3  }
0x1: {  	(tag) =	ssettag $0x0;
	lr =	simm.s32 $0x1  }
0x2: {  	[smem:$0x3F9C] =	sst lr;
	_ =	strace $0xD0000000  }
0x3: {  	_ = 	snop  }
0x4: {  	_ = 	snop  }
0x5: {  	_ = 	snop  }
0x6: {  	_ = 	snop  }
0x7: {  	_ = 	snop  }
__scs_overlays_trampoline_lowered:
0x8: {  	[smem:$0x3FAB] =	sst s0  }
0x9: {  	[smem:$0x3FAC] =	sst s1  }
0xa: {  	[smem:$0x3FAD] =	sst s2  }
0xb: {  	[smem:$0x3FAE] =	sst s3  }
0xc: {  	[smem:$0x3FAF] =	sst s4  }
0xd: {  	[smem:$0x3FB0] =	sst s5  }
0xe: {  	[smem:$0x3FB1] =	sst s6  }
0xf: {  	[smem:$0x3FB2] =	sst s7  }
0x10: {  	[smem:$0x3FB3] =	sst s8  }
0x11: {  	[smem:$0x3FB4] =	sst s9;
	s0 =	simm.s32 @!p0 $0x0  }
0x12: {  	s1 =	sld [smem:$0x3F9A];
	s0 =	simm.s32 @p0 $0x1  }
0x13: {  	[smem:$0x3FB5] =	sst s0;
	s0 =	simm.s32 @!p1 $0x0  }
0x14: {  	s2 =	sld [smem:$0x3F99];
	s0 =	simm.s32 @p1 $0x1  }
0x15: {  	[smem:$0x3FB6] =	sst s0;
	s0 =	simm.s32 @!p2 $0x0  }
0x16: {  	s3 =	sld [smem:$0x3FDB];
	s0 =	simm.s32 @p2 $0x1  }
0x17: {  	s4 =	simm.s32 $0x1BF5;
	[smem:$0x3FB8] =	sst s0  }
0x18: {  	s0 =	sld [smem:$0x3F9B];
	_ =	swait.ge [sflag:s4], $0x0  }
0x19: {  	s7 =	sld [smem:$0x3F9C]  }
0x1a: {  	s8 =	sadd.s32 $0xFFFFE003, lr  }
0x1b: {  	s9 =	sadd.s32 $0xFFFFFEF7, lr;
	s5 =	simm.s32 $0xFFFFFFFF;
	p2 =	slt.u32 s8, $0xFFFFF086  }
0x1c: {  	p1 =	slt.u32 s9, $0xF7A;
	s5 =	simm.s32 @!p2 $0x0  }
0x1d: {  	s5 =	simm.s32 @p1 $0x1;
	p0 =	seq.s32 s7, s2  }
0x1e: {  	s7 =	smul.u32 @!p0 $0xF7A, s2;
	p2 =	seq.s32 @!p0 s5, $0x0  }
0x1f: {  	s9 =	smul.u32 $0xF7A, s1;
	s8 =	simm.s32 @!p0 $0x1BF5;
	p2 =	por !p2, p0  }
0x20: {  	[sflag:s8] =	ssyncset.s32 @!p0 $0xFFFFF086;
	s6 =	sadd.s32 @!p0 s3, s7;
	s7 =	simm.s32 @!p0 $0x108  }
0x21: {  	s3 =	sadd.s32 s3, s9;
	s6 =	sadd.s32 @!p0 $0x88, s6;
	s7 =	simm.s32 @p2 $0x1082  }
0x22: {  	[simem:s7], [sflag:s8] =	dma.local @!p0 [hbm:s6], $0xF7A  }
0x23: {  	s9 =	sor.u32 $0xD0000000, s2;
	s6 =	simm.s32 $0x108;
	_ =	swait.ge @!p0 [sflag:s8], $0x0  }
0x24: {  	s3 =	sadd.s32 $0x88, s3;
	s6 =	simm.s32 @!p1 $0x1082;
	[sflag:s4] =	ssyncset.s32 $0xFFFFF086  }
0x25: {  	[simem:s6], [sflag:s4] =	dma.local [hbm:s3], $0xF7A  }
0x26: {  	[smem:$0x3F9C] =	sst s1;
	(tag) =	ssettag s2;
	_ =	strace s9  }
0x27: {  	s1 =	sld [smem:$0x3FAC]  }
0x28: {  	s2 =	sld [smem:$0x3FAD]  }
0x29: {  	s4 =	sld [smem:$0x3FAF]  }
0x2a: {  	p0 =	seq.s32 s5, $0x0;
	s5 =	sld [smem:$0x3FB0]  }
0x2b: {  	s6 =	sld [smem:$0x3FB1]  }
0x2c: {  	s7 =	sld [smem:$0x3FB2]  }
0x2d: {  	s3 =	simm.s32 $0x108;
	s8 =	sld [smem:$0x3FB3]  }
0x2e: {  	s3 =	simm.s32 @!p0 $0x1082;
	s9 =	sld [smem:$0x3FB4]  }
0x2f: {  	lr =	sadd.s32 s0, s3;
	s0 =	sld [smem:$0x3FAB]  }
0x30: {  	s3 =	sld [smem:$0x3FAE]  }
0x31: {  	[smem:$0x3FB7] =	sst s10  }
0x32: {  	s10 =	sld [smem:$0x3FB5];
	_ =	sdelay $0x3  }
0x33: {  	p0 =	seq.s32 s10, $0x1;
	s10 =	sld [smem:$0x3FB7];
	_ =	sdelay $0x3  }
0x34: {  	[smem:$0x3FB7] =	sst s10  }
0x35: {  	s10 =	sld [smem:$0x3FB6];
	_ =	sdelay $0x3  }
0x36: {  	p1 =	seq.s32 s10, $0x1;
	s10 =	sld [smem:$0x3FB7];
	_ =	sdelay $0x3  }
0x37: {  	[smem:$0x3FB7] =	sst s10  }
0x38: {  	s10 =	sld [smem:$0x3FB8]  }
0x39: {  	_ = 	snop;
	(pc) =	sbr.ind lr, $3  }
0x3a: {  	_ = 	snop  }
0x3b: {  	_ = 	snop  }
0x3c: {  	p2 =	seq.s32 s10, $0x1;
	s10 =	sld [smem:$0x3FB7]  }
0x3d: {  	_ =	shalt  }
0x3e: {  	_ =	shalt  }
0x3f: {  	_ =	shalt  }
0x40: {  	_ =	shalt  }
0x41: {  	_ =	shalt  }
0x42: {  	_ =	shalt  }
0x43: {  	_ =	shalt  }
0x44: {  	_ =	shalt  }
0x45: {  	_ =	shalt  }
0x46: {  	_ =	shalt  }
0x47: {  	_ =	shalt  }
0x48: {  	_ =	shalt  }
0x49: {  	_ =	shalt  }
0x4a: {  	_ =	shalt  }
0x4b: {  	_ =	shalt  }
0x4c: {  	_ =	shalt  }
0x4d: {  	_ =	shalt  }
0x4e: {  	_ =	shalt  }
0x4f: {  	_ =	shalt  }
0x50: {  	_ =	shalt  }
0x51: {  	_ =	shalt  }
0x52: {  	_ =	shalt  }
0x53: {  	_ =	shalt  }
0x54: {  	_ =	shalt  }
0x55: {  	_ =	shalt  }
0x56: {  	_ =	shalt  }
0x57: {  	_ =	shalt  }
0x58: {  	_ =	shalt  }
0x59: {  	_ =	shalt  }
0x5a: {  	_ =	shalt  }
0x5b: {  	_ =	shalt  }
0x5c: {  	_ =	shalt  }
0x5d: {  	_ =	shalt  }
0x5e: {  	_ =	shalt  }
0x5f: {  	_ =	shalt  }
0x60: {  	_ =	shalt  }
0x61: {  	_ =	shalt  }
0x62: {  	_ =	shalt  }
0x63: {  	_ =	shalt  }
0x64: {  	_ =	shalt  }
0x65: {  	_ =	shalt  }
0x66: {  	_ =	shalt  }
0x67: {  	_ =	shalt  }
0x68: {  	_ =	shalt  }
0x69: {  	_ =	shalt  }
0x6a: {  	_ =	shalt  }
0x6b: {  	_ =	shalt  }
0x6c: {  	_ =	shalt  }
0x6d: {  	_ =	shalt  }
0x6e: {  	_ =	shalt  }
0x6f: {  	_ =	shalt  }
0x70: {  	_ =	shalt  }
0x71: {  	_ =	shalt  }
0x72: {  	_ =	shalt  }
0x73: {  	_ =	shalt  }
0x74: {  	_ =	shalt  }
0x75: {  	_ =	shalt  }
0x76: {  	_ =	shalt  }
0x77: {  	_ =	shalt  }
0x78: {  	_ =	shalt  }
0x79: {  	_ =	shalt  }
0x7a: {  	_ =	shalt  }
0x7b: {  	_ =	shalt  }
0x7c: {  	_ =	shalt  }
0x7d: {  	_ =	shalt  }
0x7e: {  	_ =	shalt  }
0x7f: {  	_ =	shalt  }
0x80: {  	_ =	shalt  }
0x81: {  	_ =	shalt  }
0x82: {  	_ =	shalt  }
0x83: {  	_ =	shalt  }
0x84: {  	_ =	shalt  }
0x85: {  	_ =	shalt  }
0x86: {  	_ =	shalt  }
0x87: {  	_ =	shalt  }
.Lfunc_end0:
.L_simem_size_0:
called_computation.1_lowered:
.L_overlay_start_0:
0x88: {  	s2 =	sld [smem:$0x3FD9]  }
0x89: {  	s3 =	sld [smem:$0x3FFE];
	_ =	sdelay $0x1  }
0x8a: {  	s1 =	srdreg.scid  }
0x8b: {  	s0 =	sand.u32 $0x1, s1  }
0x8c: {  	s17 =	sshll.u32 s0, $0xA;
	s2 =	sadd.s32 s3, s2  }
0x8d: {  	s2 =	sadd.s32 s2, s17  }
0x8e: {  	[smem:$0x3FC3] =	sst s2  }
0x8f: {  	_ = 	snop  }
0x90: {  	s2 =	sld [smem:$0x3FC9]  }
0x91: {  	s18 =	sld [smem:$0x3FD0];
	(tm) =	ssettm $0x1  }
0x92: {  	s4 =	sld [smem:$0x3FFB];
	_ =	sdelay $0x3  }
0x93: {  	_ =	strace s4  }
0x94: {  	s4 =	sld [smem:$0x3FFC];
	_ =	sdelay $0x3  }
0x95: {  	_ =	strace s4  }
0x96: {  	s4 =	sld [smem:$0x3FFD];
	_ =	sdelay $0x3  }
0x97: {  	_ =	strace s4  }
0x98: {  	_ =	strace $0x8FFFFFFF  }
0x99: {  	s19 =	sld [smem:$0x3FDB];
	_ =	sdelay $0x1  }
0x9a: {  	s5 =	simm.s32 $_scs_section_size  }
0x9b: {  	s6 =	simm.s32 $_size__tile_overlayer_lowered;
	s7 =	simm.s32 $_tile_overlayer_lowered  }
0x9c: {  	s22 =	simm.s32 $0x1BFF;
	s21 =	sshll.u32 s7, $0x1;
	s4 =	sadd.s32 s5, s19  }
0x9d: {  	s8 =	simm.s32 $0x0;
	s20 =	sshll.u32 s6, $0x1;
	s6 =	sadd.s32 s21, s4  }
0x9e: {  	[timem:s8], [sflag:s22] =	dma.local [hbm:s6], s20  }
0x9f: {  	_ =	swait.ge [sflag:s22], s20  }
0xa0: {  	s5 =	ssub.s32 $0x0, s20;
	[sflag:s22] =	ssyncset.done $0x0  }
0xa1: {  	[sflag:s22] =	ssyncadd.s32 s5;
	_ =	sdelay $0x1  }
0xa2: {  	s23 =	simm.s32 $0x1B8B  }
0xa3: {  	_ =	swait.ge [sflag:s23], $0x1  }
0xa4: {  	[sflag:s23] =	ssyncset.done $0x0  }
0xa5: {  	s25 =	simm.s32 $0x1B8E;
	s24 =	sld [smem:$0x3FFE];
	[sflag:s23] =	ssyncadd.s32 $0xFFFFFFFF  }
0xa6: {  	s26 =	simm.s32 $execute0_lowered;
	[smem:$0x3FD2] =	sst s25  }
0xa7: {  	s6 =	sshll.u32 s26, $0x1;
	_ =	strace $0x80000049;
	[dreg:$0x1] =	wrdreg $0xFFFFFFFF  }
0xa8: {  	s28 =	simm.s32 $_size_execute0_lowered;
	s4 =	sadd.s32 s4, s6;
	[dreg:$0x0] =	wrdreg $0x0  }
0xa9: {  	s6 =	sshll.u32 s28, $0x1;
	[dreg:$0x2] =	wrdreg s4  }
0xaa: {  	[dreg:$0x3] =	wrdreg s6  }
0xab: {  	[dreg:$0x4] =	wrdreg $0xC0  }
0xac: {  	_ =	task [dreg:s8], $0x5FFFF  }
0xad: {  	[dreg:$0x1] =	wrdreg $0xFFFFFFFF  }
0xae: {  	[dreg:$0x0] =	wrdreg $0x60  }
0xaf: {  	[dreg:$0x2] =	wrdreg s2  }
0xb0: {  	[dreg:$0x3] =	wrdreg s18  }
0xb1: {  	[dreg:$0x4] =	wrdreg s24  }
0xb2: {  	[dreg:$0x5] =	wrdreg $0x9  }
0xb3: {  	_ =	task.clear_ibuf [dreg:s8], $0x6FFFF;
	_ =	strace $0x90000049  }
0xb4: {  	s29 =	simm.s32 $0x9;
	_ =	strace $0x8000004B  }
0xb5: {  	_ =	swait.ge [sflag:s29], $0x1  }
0xb6: {  	[sflag:s29] =	ssyncadd.s32 $0xFFFFFFFF  }
0xb7: {  	_ =	strace $0x9000004B  }
0xb8: {  	_ =	sfence  }
0xb9: {  	s30 =	sld [smem:$0x0];
	_ =	sdelay $0x2  }
0xba: {  	s31 =	sshll.u32 s1, $0xD;
	s1 =	sshrl.u32 s1, $0x2  }
0xbb: {  	s3 =	sand.u32 $0x4000, s31;
	s1 =	sadd.s32 s1, s30  }
0xbc: {  	s0 =	sor.u32 s3, s0;
	s1 =	sshll.u32 s1, $0x11  }
0xbd: {  	s0 =	sor.u32 s1, s0  }
0xbe: {  	s0 =	sadd.s32 $0x8F2B, s0  }
0xbf: {  	[sflag:s0] =	ssyncadd.remote.s32 $0x1  }
0xc0: {  	_ =	sfence.sel $0xFFFF  }
0xc1: {  	[dreg:$0x0] =	wrdreg $0xFFFFFFFF;
	(pc) =	sbr.abs _section_cstart, $3  }
0xc2: {  	[dreg:$0x1] =	wrdreg $0xFFFFFFFF  }
0xc3: {  	_ =	task.clear_ibuf [dreg:s8], $0x2FFFF;
	_ =	strace $0x9FFFFFFF  }
0xc4: {  	(tm) =	ssettm $0x7FFFFFFF  }
0xc5: {  	_ =	shalt  }
tec
execute0_lowered:
.L_overlay_start_1:
0x0: {  	(tag) =	ssettag $0x1  }
0x1: {  	s1 =	rddreg [dreg:$0x0]  }
0x2: {  	s2 =	srdreg.scid;
	s4 =	rddreg [dreg:$0x1]  }
0x3: {  	s0 =	stileid.u32;
	s5 =	rddreg [dreg:$0x2];
	s14 =	simm.s32 $0x2  }
0x4: {  	s15 =	simm.s32 $0x100;
	s16 =	simm.s32 $0x900;
	s17 =	simm.s32 $0x1100  }
0x5: {  	s18 =	simm.s32 $0x1900;
	s19 =	simm.s32 $0x2100;
	s20 =	simm.s32 $0x2900  }
0x6: {  	s28 =	simm.s32 $0x6100;
	s2 =	sand.u32 $0x1, s2;
	s3 =	sshll.u32 s0, $0x1  }
0x7: {  	s29 =	simm.s32 $0x6900;
	s30 =	simm.s32 $0x7100;
	s6 =	sor.u32 s2, s3  }
0x8: {  	s31 =	simm.s32 $0x7900;
	s5 =	sadd.s32 $0x1A00, s5;
	s7 =	smul.u32 $0x16, s6  }
0x9: {  	s3 =	simm.s32 $0x0;
	s2 =	ssub.s32 $0x2, s2;
	s8 =	smul.u32 $0x2C000, s6  }
0xa: {  	[smem:$0x7FF] =	sst s3;
	s6 =	smul.u32 $0x5800, s6;
	s23 =	sshrl.u32 s2, $0x1  }
0xb: {  	_ =	strace $0x8000004A;
	s2 =	ssub.s32 s2, s23;
	s23 =	simm.s32 $0x4100  }
0xc: {  	s4 =	sadd.s32 s4, s7;
	s21 =	sshrl.u32 s8, $0x3;
	s22 =	sadd.s32 s5, s6  }
0xd: {  	s6 =	sadd.s32 $0x300, s1;
	s13 =	smax.u32 s2, $0x1;
	[dreg:$0x4] =	wrdreg s4  }
0xe: {  	s2 =	simm.s32 $0x1;
	s12 =	sadd.s32 s5, s21;
	[dreg:$0x5] =	wrdreg s22  }
0xf: {  	s4 =	sadd.s32 $0x100, s1;
	s5 =	sadd.s32 $0x200, s1;
	s21 =	simm.s32 $0x3100  }
0x10: {  	s22 =	simm.s32 $0x3900;
	s24 =	sadd.s32 $0x800, s12;
	s25 =	sadd.s32 $0x1000, s12  }
0x11: {  	s26 =	sadd.s32 $0x1800, s12;
	s7 =	sadd.s32 $0x2000, s12;
	[dreg:$0x6] =	wrdreg s24  }
0x12: {  	s8 =	sadd.s32 $0x3000, s12;
	s9 =	sadd.s32 $0x3800, s12;
	[dreg:$0x7] =	wrdreg s25  }
0x13: {  	v2 =	vlaneseq.u32;
	s10 =	sadd.s32 $0x4000, s12;
	s11 =	sadd.s32 $0x4800, s12;
	[dreg:$0x8] =	wrdreg s26  }
0x14: {  	vm0 =	vmmov $0xffff;
	v1 =	vshrl.u32 v2, $0x3;
	[dreg:$0x9] =	wrdreg s7;
	s7 =	sadd.s32 $0x2800, s12;
	s12 =	sadd.s32 $0x5000, s12  }
0x15: {  	v0 =	vand.u32 $0x7, v2;
	v2 =	vor.u32 $0x8, v2;
	v1 =	vmul.u32 $0x8, v1;
	s24 =	simm.s32 $0x4900;
	s25 =	simm.s32 $0x5100;
	s26 =	simm.s32 $0x5900  }
.LBB2_1:
0x16: {  	s0 =	rddreg [dreg:$0x4]  }
0x17: {  	[tilespmem:s3], [sflag:$0x2] =	stream.linear.gather [hbm4b:s0+s3], $0xB0, $0x38;
	[tilespmem:$0x8100] =	vst v63  }
0x18: {  	_ =	swait.ge [sflag:s14], $0xB0  }
0x19: {  	[sflag:s14] =	ssyncset.done $0x0  }
0x1a: {  	[sflag:s14] =	ssyncadd.s32 $0xFFFFFF50  }
0x1b: {  	v3 =	vld [tilespmem:$0x0];
	_ =	sdelay $0x4  }
0x1c: {  	v4 =	vshll.u32 v3, $0x3  }
0x1d: {  	v3 =	vand.u32 $0x7, v3;
	v4 =	vand.u32 $0xFFFFFFC0, v4  }
0x1e: {  	v3 =	vor.u32 v3, v4  }
0x1f: {  	v4 =	vperm.xlane v3, v0;
	_ =	sdelay $0x1  }
0x20: {  	v4 =	vadd.s32 v1, v4;
	_ =	sdelay $0x4  }
0x21: {  	[tilespmem:s15], [sflag:$0x1] =	stream.indirect_vreg.gather [hbm4b:s1+s3], $0x80, v4, vm0, $0xb8;
	[tilespmem:$0x8100] =	vst v63  }
0x22: {  	v3 =	vperm.xlane v3, v2  }
0x23: {  	[tilespmem:s16], [sflag:$0x1] =	stream.indirect_vreg.gather [hbm4b:s4+s3], $0x80, v4, vm0, $0xb8;
	[tilespmem:$0x8100] =	vst v63  }
0x24: {  	v3 =	vadd.s32 v1, v3  }
0x25: {  	[tilespmem:s17], [sflag:$0x1] =	stream.indirect_vreg.gather [hbm4b:s5+s3], $0x80, v4, vm0, $0xb8;
	[tilespmem:$0x8100] =	vst v63  }
0x26: {  	_ = 	snop  }
0x27: {  	[tilespmem:s18], [sflag:$0x1] =	stream.indirect_vreg.gather [hbm4b:s6+s3], $0x80, v4, vm0, $0xb8;
	[tilespmem:$0x8100] =	vst v63  }
0x28: {  	_ = 	snop  }
0x29: {  	[tilespmem:s19], [sflag:$0x1] =	stream.indirect_vreg.gather [hbm4b:s1+s3], $0x80, v3, vm0, $0xb8;
	[tilespmem:$0x8100] =	vst v63  }
0x2a: {  	_ = 	snop  }
0x2b: {  	[tilespmem:s20], [sflag:$0x1] =	stream.indirect_vreg.gather [hbm4b:s4+s3], $0x80, v3, vm0, $0xb8;
	[tilespmem:$0x8100] =	vst v63  }
0x2c: {  	_ = 	snop  }
0x2d: {  	[tilespmem:s21], [sflag:$0x1] =	stream.indirect_vreg.gather [hbm4b:s5+s3], $0x80, v3, vm0, $0xb8;
	[tilespmem:$0x8100] =	vst v63  }
0x2e: {  	_ = 	snop  }
0x2f: {  	[tilespmem:s22], [sflag:$0x1] =	stream.indirect_vreg.gather [hbm4b:s6+s3], $0x80, v3, vm0, $0xb8;
	[tilespmem:$0x8100] =	vst v63  }
0x30: {  	v3 =	vld [tilespmem:$0x10];
	_ =	sdelay $0x4  }
0x31: {  	v54 =	vshll.u32 v3, $0x3  }
0x32: {  	v3 =	vand.u32 $0x7, v3;
	v4 =	vand.u32 $0xFFFFFFC0, v54  }
0x33: {  	v3 =	vor.u32 v3, v4  }
0x34: {  	v4 =	vperm.xlane v3, v0;
	_ =	sdelay $0x1  }
0x35: {  	v4 =	vadd.s32 v1, v4;
	_ =	sdelay $0x4  }
0x36: {  	[tilespmem:s23], [sflag:$0x1] =	stream.indirect_vreg.gather [hbm4b:s1+s3], $0x80, v4, vm0, $0xb8;
	[tilespmem:$0x8100] =	vst v63  }
0x37: {  	v3 =	vperm.xlane v3, v2  }
0x38: {  	[tilespmem:s24], [sflag:$0x1] =	stream.indirect_vreg.gather [hbm4b:s4+s3], $0x80, v4, vm0, $0xb8;
	[tilespmem:$0x8100] =	vst v63  }
0x39: {  	v3 =	vadd.s32 v1, v3  }
0x3a: {  	[tilespmem:s25], [sflag:$0x1] =	stream.indirect_vreg.gather [hbm4b:s5+s3], $0x80, v4, vm0, $0xb8;
	[tilespmem:$0x8100] =	vst v63  }
0x3b: {  	_ = 	snop  }
0x3c: {  	[tilespmem:s26], [sflag:$0x1] =	stream.indirect_vreg.gather [hbm4b:s6+s3], $0x80, v4, vm0, $0xb8;
	[tilespmem:$0x8100] =	vst v63  }
0x3d: {  	_ = 	snop  }
0x3e: {  	[tilespmem:s28], [sflag:$0x1] =	stream.indirect_vreg.gather [hbm4b:s1+s3], $0x80, v3, vm0, $0xb8;
	[tilespmem:$0x8100] =	vst v63  }
0x3f: {  	_ = 	snop  }
0x40: {  	[tilespmem:s29], [sflag:$0x1] =	stream.indirect_vreg.gather [hbm4b:s4+s3], $0x80, v3, vm0, $0xb8;
	[tilespmem:$0x8100] =	vst v63  }
0x41: {  	_ = 	snop  }
0x42: {  	[tilespmem:s30], [sflag:$0x1] =	stream.indirect_vreg.gather [hbm4b:s5+s3], $0x80, v3, vm0, $0xb8;
	[tilespmem:$0x8100] =	vst v63  }
0x43: {  	_ = 	snop  }
0x44: {  	[tilespmem:s31], [sflag:$0x1] =	stream.indirect_vreg.gather [hbm4b:s6+s3], $0x80, v3, vm0, $0xb8;
	[tilespmem:$0x8100] =	vst v63  }
0x45: {  	_ =	swait.ge [sflag:s2], $0x4000  }
0x46: {  	[sflag:s2] =	ssyncset.done $0x0  }
0x47: {  	s0 =	rddreg [dreg:$0x5];
	[sflag:s2] =	ssyncadd.s32 $0xFFFFC000  }
0x48: {  	[hbm4b:s0+s3] =	stream.linear.scatter [tilespmem:s15], [sflag:$0x2], $0x4000, $0x38;
	[tilespmem:$0x8100] =	vst v63  }
0x49: {  	_ =	swait.ge [sflag:s14], $0x4000  }
0x4a: {  	[sflag:s14] =	ssyncset.done $0x0  }
0x4b: {  	[sflag:s14] =	ssyncadd.s32 $0xFFFFC000  }
0x4c: {  	v3 =	vld [tilespmem:$0x20];
	_ =	sdelay $0x4  }
0x4d: {  	v55 =	vshll.u32 v3, $0x3  }
0x4e: {  	v3 =	vand.u32 $0x7, v3;
	v4 =	vand.u32 $0xFFFFFFC0, v55  }
0x4f: {  	v3 =	vor.u32 v3, v4  }
0x50: {  	v4 =	vperm.xlane v3, v0;
	_ =	sdelay $0x1  }
0x51: {  	v4 =	vadd.s32 v1, v4;
	_ =	sdelay $0x4  }
0x52: {  	[tilespmem:s15], [sflag:$0x1] =	stream.indirect_vreg.gather [hbm4b:s1+s3], $0x80, v4, vm0, $0xb8;
	[tilespmem:$0x8100] =	vst v63  }
0x53: {  	v3 =	vperm.xlane v3, v2  }
0x54: {  	[tilespmem:s16], [sflag:$0x1] =	stream.indirect_vreg.gather [hbm4b:s4+s3], $0x80, v4, vm0, $0xb8;
	[tilespmem:$0x8100] =	vst v63  }
0x55: {  	v3 =	vadd.s32 v1, v3  }
0x56: {  	[tilespmem:s17], [sflag:$0x1] =	stream.indirect_vreg.gather [hbm4b:s5+s3], $0x80, v4, vm0, $0xb8;
	[tilespmem:$0x8100] =	vst v63  }
0x57: {  	_ = 	snop  }
0x58: {  	[tilespmem:s18], [sflag:$0x1] =	stream.indirect_vreg.gather [hbm4b:s6+s3], $0x80, v4, vm0, $0xb8;
	[tilespmem:$0x8100] =	vst v63  }
0x59: {  	_ = 	snop  }
0x5a: {  	[tilespmem:s19], [sflag:$0x1] =	stream.indirect_vreg.gather [hbm4b:s1+s3], $0x80, v3, vm0, $0xb8;
	[tilespmem:$0x8100] =	vst v63  }
0x5b: {  	_ = 	snop  }
0x5c: {  	[tilespmem:s20], [sflag:$0x1] =	stream.indirect_vreg.gather [hbm4b:s4+s3], $0x80, v3, vm0, $0xb8;
	[tilespmem:$0x8100] =	vst v63  }
0x5d: {  	_ = 	snop  }
0x5e: {  	[tilespmem:s21], [sflag:$0x1] =	stream.indirect_vreg.gather [hbm4b:s5+s3], $0x80, v3, vm0, $0xb8;
	[tilespmem:$0x8100] =	vst v63  }
0x5f: {  	_ = 	snop  }
0x60: {  	[tilespmem:s22], [sflag:$0x1] =	stream.indirect_vreg.gather [hbm4b:s6+s3], $0x80, v3, vm0, $0xb8;
	[tilespmem:$0x8100] =	vst v63  }
0x61: {  	_ =	swait.ge [sflag:s2], $0x4000  }
0x62: {  	[sflag:s2] =	ssyncset.done $0x0  }
0x63: {  	s0 =	rddreg [dreg:$0x6];
	[sflag:s2] =	ssyncadd.s32 $0xFFFFC000  }
0x64: {  	[hbm4b:s0+s3] =	stream.linear.scatter [tilespmem:s23], [sflag:$0x2], $0x4000, $0x38;
	[tilespmem:$0x8100] =	vst v63  }
0x65: {  	_ =	swait.ge [sflag:s14], $0x4000  }
0x66: {  	[sflag:s14] =	ssyncset.done $0x0  }
0x67: {  	[sflag:s14] =	ssyncadd.s32 $0xFFFFC000  }
0x68: {  	v3 =	vld [tilespmem:$0x30];
	_ =	sdelay $0x4  }
0x69: {  	v56 =	vshll.u32 v3, $0x3  }
0x6a: {  	v3 =	vand.u32 $0x7, v3;
	v4 =	vand.u32 $0xFFFFFFC0, v56  }
0x6b: {  	v3 =	vor.u32 v3, v4  }
0x6c: {  	v4 =	vperm.xlane v3, v0;
	_ =	sdelay $0x1  }
0x6d: {  	v4 =	vadd.s32 v1, v4;
	_ =	sdelay $0x4  }
0x6e: {  	[tilespmem:s23], [sflag:$0x1] =	stream.indirect_vreg.gather [hbm4b:s1+s3], $0x80, v4, vm0, $0xb8;
	[tilespmem:$0x8100] =	vst v63  }
0x6f: {  	v3 =	vperm.xlane v3, v2  }
0x70: {  	[tilespmem:s24], [sflag:$0x1] =	stream.indirect_vreg.gather [hbm4b:s4+s3], $0x80, v4, vm0, $0xb8;
	[tilespmem:$0x8100] =	vst v63  }
0x71: {  	v3 =	vadd.s32 v1, v3  }
0x72: {  	[tilespmem:s25], [sflag:$0x1] =	stream.indirect_vreg.gather [hbm4b:s5+s3], $0x80, v4, vm0, $0xb8;
	[tilespmem:$0x8100] =	vst v63  }
0x73: {  	_ = 	snop  }
0x74: {  	[tilespmem:s26], [sflag:$0x1] =	stream.indirect_vreg.gather [hbm4b:s6+s3], $0x80, v4, vm0, $0xb8;
	[tilespmem:$0x8100] =	vst v63  }
0x75: {  	_ = 	snop  }
0x76: {  	[tilespmem:s28], [sflag:$0x1] =	stream.indirect_vreg.gather [hbm4b:s1+s3], $0x80, v3, vm0, $0xb8;
	[tilespmem:$0x8100] =	vst v63  }
0x77: {  	_ = 	snop  }
0x78: {  	[tilespmem:s29], [sflag:$0x1] =	stream.indirect_vreg.gather [hbm4b:s4+s3], $0x80, v3, vm0, $0xb8;
	[tilespmem:$0x8100] =	vst v63  }
0x79: {  	_ = 	snop  }
0x7a: {  	[tilespmem:s30], [sflag:$0x1] =	stream.indirect_vreg.gather [hbm4b:s5+s3], $0x80, v3, vm0, $0xb8;
	[tilespmem:$0x8100] =	vst v63  }
0x7b: {  	_ = 	snop  }
0x7c: {  	[tilespmem:s31], [sflag:$0x1] =	stream.indirect_vreg.gather [hbm4b:s6+s3], $0x80, v3, vm0, $0xb8;
	[tilespmem:$0x8100] =	vst v63  }
0x7d: {  	_ =	swait.ge [sflag:s2], $0x4000  }
0x7e: {  	[sflag:s2] =	ssyncset.done $0x0  }
0x7f: {  	s0 =	rddreg [dreg:$0x7];
	[sflag:s2] =	ssyncadd.s32 $0xFFFFC000  }
0x80: {  	[hbm4b:s0+s3] =	stream.linear.scatter [tilespmem:s15], [sflag:$0x2], $0x4000, $0x38;
	[tilespmem:$0x8100] =	vst v63  }
0x81: {  	_ =	swait.ge [sflag:s14], $0x4000  }
0x82: {  	[sflag:s14] =	ssyncset.done $0x0  }
0x83: {  	[sflag:s14] =	ssyncadd.s32 $0xFFFFC000  }
0x84: {  	v3 =	vld [tilespmem:$0x40];
	_ =	sdelay $0x4  }
0x85: {  	v57 =	vshll.u32 v3, $0x3  }
0x86: {  	v3 =	vand.u32 $0x7, v3;
	v4 =	vand.u32 $0xFFFFFFC0, v57  }
0x87: {  	v3 =	vor.u32 v3, v4  }
0x88: {  	v4 =	vperm.xlane v3, v0;
	_ =	sdelay $0x1  }
0x89: {  	v4 =	vadd.s32 v1, v4;
	_ =	sdelay $0x4  }
0x8a: {  	[tilespmem:s15], [sflag:$0x1] =	stream.indirect_vreg.gather [hbm4b:s1+s3], $0x80, v4, vm0, $0xb8;
	[tilespmem:$0x8100] =	vst v63  }
0x8b: {  	v3 =	vperm.xlane v3, v2  }
0x8c: {  	[tilespmem:s16], [sflag:$0x1] =	stream.indirect_vreg.gather [hbm4b:s4+s3], $0x80, v4, vm0, $0xb8;
	[tilespmem:$0x8100] =	vst v63  }
0x8d: {  	v3 =	vadd.s32 v1, v3  }
0x8e: {  	[tilespmem:s17], [sflag:$0x1] =	stream.indirect_vreg.gather [hbm4b:s5+s3], $0x80, v4, vm0, $0xb8;
	[tilespmem:$0x8100] =	vst v63  }
0x8f: {  	_ = 	snop  }
0x90: {  	[tilespmem:s18], [sflag:$0x1] =	stream.indirect_vreg.gather [hbm4b:s6+s3], $0x80, v4, vm0, $0xb8;
	[tilespmem:$0x8100] =	vst v63  }
0x91: {  	_ = 	snop  }
0x92: {  	[tilespmem:s19], [sflag:$0x1] =	stream.indirect_vreg.gather [hbm4b:s1+s3], $0x80, v3, vm0, $0xb8;
	[tilespmem:$0x8100] =	vst v63  }
0x93: {  	_ = 	snop  }
0x94: {  	[tilespmem:s20], [sflag:$0x1] =	stream.indirect_vreg.gather [hbm4b:s4+s3], $0x80, v3, vm0, $0xb8;
	[tilespmem:$0x8100] =	vst v63  }
0x95: {  	_ = 	snop  }
0x96: {  	[tilespmem:s21], [sflag:$0x1] =	stream.indirect_vreg.gather [hbm4b:s5+s3], $0x80, v3, vm0, $0xb8;
	[tilespmem:$0x8100] =	vst v63  }
0x97: {  	_ = 	snop  }
0x98: {  	[tilespmem:s22], [sflag:$0x1] =	stream.indirect_vreg.gather [hbm4b:s6+s3], $0x80, v3, vm0, $0xb8;
	[tilespmem:$0x8100] =	vst v63  }
0x99: {  	_ =	swait.ge [sflag:s2], $0x4000  }
0x9a: {  	[sflag:s2] =	ssyncset.done $0x0  }
0x9b: {  	s0 =	rddreg [dreg:$0x8];
	[sflag:s2] =	ssyncadd.s32 $0xFFFFC000  }
0x9c: {  	[hbm4b:s0+s3] =	stream.linear.scatter [tilespmem:s23], [sflag:$0x2], $0x4000, $0x38;
	[tilespmem:$0x8100] =	vst v63  }
0x9d: {  	_ =	swait.ge [sflag:s14], $0x4000  }
0x9e: {  	[sflag:s14] =	ssyncset.done $0x0  }
0x9f: {  	[sflag:s14] =	ssyncadd.s32 $0xFFFFC000  }
0xa0: {  	v3 =	vld [tilespmem:$0x50];
	_ =	sdelay $0x4  }
0xa1: {  	v58 =	vshll.u32 v3, $0x3  }
0xa2: {  	v3 =	vand.u32 $0x7, v3;
	v4 =	vand.u32 $0xFFFFFFC0, v58  }
0xa3: {  	v3 =	vor.u32 v3, v4  }
0xa4: {  	v4 =	vperm.xlane v3, v0;
	_ =	sdelay $0x1  }
0xa5: {  	v4 =	vadd.s32 v1, v4;
	_ =	sdelay $0x4  }
0xa6: {  	[tilespmem:s23], [sflag:$0x1] =	stream.indirect_vreg.gather [hbm4b:s1+s3], $0x80, v4, vm0, $0xb8;
	[tilespmem:$0x8100] =	vst v63  }
0xa7: {  	v3 =	vperm.xlane v3, v2  }
0xa8: {  	[tilespmem:s24], [sflag:$0x1] =	stream.indirect_vreg.gather [hbm4b:s4+s3], $0x80, v4, vm0, $0xb8;
	[tilespmem:$0x8100] =	vst v63  }
0xa9: {  	v3 =	vadd.s32 v1, v3  }
0xaa: {  	[tilespmem:s25], [sflag:$0x1] =	stream.indirect_vreg.gather [hbm4b:s5+s3], $0x80, v4, vm0, $0xb8;
	[tilespmem:$0x8100] =	vst v63  }
0xab: {  	_ = 	snop  }
0xac: {  	[tilespmem:s26], [sflag:$0x1] =	stream.indirect_vreg.gather [hbm4b:s6+s3], $0x80, v4, vm0, $0xb8;
	[tilespmem:$0x8100] =	vst v63  }
0xad: {  	_ = 	snop  }
0xae: {  	[tilespmem:s28], [sflag:$0x1] =	stream.indirect_vreg.gather [hbm4b:s1+s3], $0x80, v3, vm0, $0xb8;
	[tilespmem:$0x8100] =	vst v63  }
0xaf: {  	_ = 	snop  }
0xb0: {  	[tilespmem:s29], [sflag:$0x1] =	stream.indirect_vreg.gather [hbm4b:s4+s3], $0x80, v3, vm0, $0xb8;
	[tilespmem:$0x8100] =	vst v63  }
0xb1: {  	_ = 	snop  }
0xb2: {  	[tilespmem:s30], [sflag:$0x1] =	stream.indirect_vreg.gather [hbm4b:s5+s3], $0x80, v3, vm0, $0xb8;
	[tilespmem:$0x8100] =	vst v63  }
0xb3: {  	_ = 	snop  }
0xb4: {  	[tilespmem:s31], [sflag:$0x1] =	stream.indirect_vreg.gather [hbm4b:s6+s3], $0x80, v3, vm0, $0xb8;
	[tilespmem:$0x8100] =	vst v63  }
0xb5: {  	_ =	swait.ge [sflag:s2], $0x4000  }
0xb6: {  	[sflag:s2] =	ssyncset.done $0x0  }
0xb7: {  	s0 =	rddreg [dreg:$0x9];
	[sflag:s2] =	ssyncadd.s32 $0xFFFFC000  }
0xb8: {  	[hbm4b:s0+s3] =	stream.linear.scatter [tilespmem:s15], [sflag:$0x2], $0x4000, $0x38;
	[tilespmem:$0x8100] =	vst v63  }
0xb9: {  	_ =	swait.ge [sflag:s14], $0x4000  }
0xba: {  	[sflag:s14] =	ssyncset.done $0x0  }
0xbb: {  	[sflag:s14] =	ssyncadd.s32 $0xFFFFC000  }
0xbc: {  	v3 =	vld [tilespmem:$0x60];
	_ =	sdelay $0x4  }
0xbd: {  	v59 =	vshll.u32 v3, $0x3  }
0xbe: {  	v3 =	vand.u32 $0x7, v3;
	v4 =	vand.u32 $0xFFFFFFC0, v59  }
0xbf: {  	v3 =	vor.u32 v3, v4  }
0xc0: {  	v4 =	vperm.xlane v3, v0;
	_ =	sdelay $0x1  }
0xc1: {  	v4 =	vadd.s32 v1, v4;
	_ =	sdelay $0x4  }
0xc2: {  	[tilespmem:s15], [sflag:$0x1] =	stream.indirect_vreg.gather [hbm4b:s1+s3], $0x80, v4, vm0, $0xb8;
	[tilespmem:$0x8100] =	vst v63  }
0xc3: {  	v3 =	vperm.xlane v3, v2  }
0xc4: {  	[tilespmem:s16], [sflag:$0x1] =	stream.indirect_vreg.gather [hbm4b:s4+s3], $0x80, v4, vm0, $0xb8;
	[tilespmem:$0x8100] =	vst v63  }
0xc5: {  	v3 =	vadd.s32 v1, v3  }
0xc6: {  	[tilespmem:s17], [sflag:$0x1] =	stream.indirect_vreg.gather [hbm4b:s5+s3], $0x80, v4, vm0, $0xb8;
	[tilespmem:$0x8100] =	vst v63  }
0xc7: {  	_ = 	snop  }
0xc8: {  	[tilespmem:s18], [sflag:$0x1] =	stream.indirect_vreg.gather [hbm4b:s6+s3], $0x80, v4, vm0, $0xb8;
	[tilespmem:$0x8100] =	vst v63  }
0xc9: {  	_ = 	snop  }
0xca: {  	[tilespmem:s19], [sflag:$0x1] =	stream.indirect_vreg.gather [hbm4b:s1+s3], $0x80, v3, vm0, $0xb8;
	[tilespmem:$0x8100] =	vst v63  }
0xcb: {  	_ = 	snop  }
0xcc: {  	[tilespmem:s20], [sflag:$0x1] =	stream.indirect_vreg.gather [hbm4b:s4+s3], $0x80, v3, vm0, $0xb8;
	[tilespmem:$0x8100] =	vst v63  }
0xcd: {  	_ = 	snop  }
0xce: {  	[tilespmem:s21], [sflag:$0x1] =	stream.indirect_vreg.gather [hbm4b:s5+s3], $0x80, v3, vm0, $0xb8;
	[tilespmem:$0x8100] =	vst v63  }
0xcf: {  	_ = 	snop  }
0xd0: {  	[tilespmem:s22], [sflag:$0x1] =	stream.indirect_vreg.gather [hbm4b:s6+s3], $0x80, v3, vm0, $0xb8;
	[tilespmem:$0x8100] =	vst v63  }
0xd1: {  	_ =	swait.ge [sflag:s2], $0x4000  }
0xd2: {  	[sflag:s2] =	ssyncset.done $0x0  }
0xd3: {  	[sflag:s2] =	ssyncadd.s32 $0xFFFFC000  }
0xd4: {  	[hbm4b:s7+s3] =	stream.linear.scatter [tilespmem:s23], [sflag:$0x2], $0x4000, $0x38;
	[tilespmem:$0x8100] =	vst v63  }
0xd5: {  	_ =	swait.ge [sflag:s14], $0x4000  }
0xd6: {  	[sflag:s14] =	ssyncset.done $0x0  }
0xd7: {  	[sflag:s14] =	ssyncadd.s32 $0xFFFFC000  }
0xd8: {  	v3 =	vld [tilespmem:$0x70];
	_ =	sdelay $0x4  }
0xd9: {  	v60 =	vshll.u32 v3, $0x3  }
0xda: {  	v3 =	vand.u32 $0x7, v3;
	v4 =	vand.u32 $0xFFFFFFC0, v60  }
0xdb: {  	v3 =	vor.u32 v3, v4  }
0xdc: {  	v4 =	vperm.xlane v3, v0;
	_ =	sdelay $0x1  }
0xdd: {  	v4 =	vadd.s32 v1, v4;
	_ =	sdelay $0x4  }
0xde: {  	[tilespmem:s23], [sflag:$0x1] =	stream.indirect_vreg.gather [hbm4b:s1+s3], $0x80, v4, vm0, $0xb8;
	[tilespmem:$0x8100] =	vst v63  }
0xdf: {  	v3 =	vperm.xlane v3, v2  }
0xe0: {  	[tilespmem:s24], [sflag:$0x1] =	stream.indirect_vreg.gather [hbm4b:s4+s3], $0x80, v4, vm0, $0xb8;
	[tilespmem:$0x8100] =	vst v63  }
0xe1: {  	v3 =	vadd.s32 v1, v3  }
0xe2: {  	[tilespmem:s25], [sflag:$0x1] =	stream.indirect_vreg.gather [hbm4b:s5+s3], $0x80, v4, vm0, $0xb8;
	[tilespmem:$0x8100] =	vst v63  }
0xe3: {  	_ = 	snop  }
0xe4: {  	[tilespmem:s26], [sflag:$0x1] =	stream.indirect_vreg.gather [hbm4b:s6+s3], $0x80, v4, vm0, $0xb8;
	[tilespmem:$0x8100] =	vst v63  }
0xe5: {  	_ = 	snop  }
0xe6: {  	[tilespmem:s28], [sflag:$0x1] =	stream.indirect_vreg.gather [hbm4b:s1+s3], $0x80, v3, vm0, $0xb8;
	[tilespmem:$0x8100] =	vst v63  }
0xe7: {  	_ = 	snop  }
0xe8: {  	[tilespmem:s29], [sflag:$0x1] =	stream.indirect_vreg.gather [hbm4b:s4+s3], $0x80, v3, vm0, $0xb8;
	[tilespmem:$0x8100] =	vst v63  }
0xe9: {  	_ = 	snop  }
0xea: {  	[tilespmem:s30], [sflag:$0x1] =	stream.indirect_vreg.gather [hbm4b:s5+s3], $0x80, v3, vm0, $0xb8;
	[tilespmem:$0x8100] =	vst v63  }
0xeb: {  	_ = 	snop  }
0xec: {  	[tilespmem:s31], [sflag:$0x1] =	stream.indirect_vreg.gather [hbm4b:s6+s3], $0x80, v3, vm0, $0xb8;
	[tilespmem:$0x8100] =	vst v63  }
0xed: {  	_ =	swait.ge [sflag:s2], $0x4000  }
0xee: {  	[sflag:s2] =	ssyncset.done $0x0  }
0xef: {  	[sflag:s2] =	ssyncadd.s32 $0xFFFFC000  }
0xf0: {  	[hbm4b:s8+s3] =	stream.linear.scatter [tilespmem:s15], [sflag:$0x2], $0x4000, $0x38;
	[tilespmem:$0x8100] =	vst v63  }
0xf1: {  	_ =	swait.ge [sflag:s14], $0x4000  }
0xf2: {  	[sflag:s14] =	ssyncset.done $0x0  }
0xf3: {  	[sflag:s14] =	ssyncadd.s32 $0xFFFFC000  }
0xf4: {  	v3 =	vld [tilespmem:$0x80];
	_ =	sdelay $0x4  }
0xf5: {  	v61 =	vshll.u32 v3, $0x3  }
0xf6: {  	v3 =	vand.u32 $0x7, v3;
	v4 =	vand.u32 $0xFFFFFFC0, v61  }
0xf7: {  	v3 =	vor.u32 v3, v4  }
0xf8: {  	v4 =	vperm.xlane v3, v0;
	_ =	sdelay $0x1  }
0xf9: {  	v4 =	vadd.s32 v1, v4;
	_ =	sdelay $0x4  }
0xfa: {  	[tilespmem:s15], [sflag:$0x1] =	stream.indirect_vreg.gather [hbm4b:s1+s3], $0x80, v4, vm0, $0xb8;
	[tilespmem:$0x8100] =	vst v63  }
0xfb: {  	v3 =	vperm.xlane v3, v2  }
0xfc: {  	[tilespmem:s16], [sflag:$0x1] =	stream.indirect_vreg.gather [hbm4b:s4+s3], $0x80, v4, vm0, $0xb8;
	[tilespmem:$0x8100] =	vst v63  }
0xfd: {  	v3 =	vadd.s32 v1, v3  }
0xfe: {  	[tilespmem:s17], [sflag:$0x1] =	stream.indirect_vreg.gather [hbm4b:s5+s3], $0x80, v4, vm0, $0xb8;
	[tilespmem:$0x8100] =	vst v63  }
0xff: {  	_ = 	snop  }
0x100: {  	[tilespmem:s18], [sflag:$0x1] =	stream.indirect_vreg.gather [hbm4b:s6+s3], $0x80, v4, vm0, $0xb8;
	[tilespmem:$0x8100] =	vst v63  }
0x101: {  	_ = 	snop  }
0x102: {  	[tilespmem:s19], [sflag:$0x1] =	stream.indirect_vreg.gather [hbm4b:s1+s3], $0x80, v3, vm0, $0xb8;
	[tilespmem:$0x8100] =	vst v63  }
0x103: {  	_ = 	snop  }
0x104: {  	[tilespmem:s20], [sflag:$0x1] =	stream.indirect_vreg.gather [hbm4b:s4+s3], $0x80, v3, vm0, $0xb8;
	[tilespmem:$0x8100] =	vst v63  }
0x105: {  	_ = 	snop  }
0x106: {  	[tilespmem:s21], [sflag:$0x1] =	stream.indirect_vreg.gather [hbm4b:s5+s3], $0x80, v3, vm0, $0xb8;
	[tilespmem:$0x8100] =	vst v63  }
0x107: {  	_ = 	snop  }
0x108: {  	[tilespmem:s22], [sflag:$0x1] =	stream.indirect_vreg.gather [hbm4b:s6+s3], $0x80, v3, vm0, $0xb8;
	[tilespmem:$0x8100] =	vst v63  }
0x109: {  	_ =	swait.ge [sflag:s2], $0x4000  }
0x10a: {  	[sflag:s2] =	ssyncset.done $0x0  }
0x10b: {  	[sflag:s2] =	ssyncadd.s32 $0xFFFFC000  }
0x10c: {  	[hbm4b:s9+s3] =	stream.linear.scatter [tilespmem:s23], [sflag:$0x2], $0x4000, $0x38;
	[tilespmem:$0x8100] =	vst v63  }
0x10d: {  	_ =	swait.ge [sflag:s14], $0x4000  }
0x10e: {  	[sflag:s14] =	ssyncset.done $0x0  }
0x10f: {  	[sflag:s14] =	ssyncadd.s32 $0xFFFFC000  }
0x110: {  	v3 =	vld [tilespmem:$0x90];
	_ =	sdelay $0x4  }
0x111: {  	v62 =	vshll.u32 v3, $0x3  }
0x112: {  	v3 =	vand.u32 $0x7, v3;
	v4 =	vand.u32 $0xFFFFFFC0, v62  }
0x113: {  	v3 =	vor.u32 v3, v4  }
0x114: {  	v4 =	vperm.xlane v3, v0;
	_ =	sdelay $0x1  }
0x115: {  	v4 =	vadd.s32 v1, v4;
	_ =	sdelay $0x4  }
0x116: {  	[tilespmem:s23], [sflag:$0x1] =	stream.indirect_vreg.gather [hbm4b:s1+s3], $0x80, v4, vm0, $0xb8;
	[tilespmem:$0x8100] =	vst v63  }
0x117: {  	v3 =	vperm.xlane v3, v2  }
0x118: {  	[tilespmem:s24], [sflag:$0x1] =	stream.indirect_vreg.gather [hbm4b:s4+s3], $0x80, v4, vm0, $0xb8;
	[tilespmem:$0x8100] =	vst v63  }
0x119: {  	v3 =	vadd.s32 v1, v3  }
0x11a: {  	[tilespmem:s25], [sflag:$0x1] =	stream.indirect_vreg.gather [hbm4b:s5+s3], $0x80, v4, vm0, $0xb8;
	[tilespmem:$0x8100] =	vst v63  }
0x11b: {  	_ = 	snop  }
0x11c: {  	[tilespmem:s26], [sflag:$0x1] =	stream.indirect_vreg.gather [hbm4b:s6+s3], $0x80, v4, vm0, $0xb8;
	[tilespmem:$0x8100] =	vst v63  }
0x11d: {  	_ = 	snop  }
0x11e: {  	[tilespmem:s28], [sflag:$0x1] =	stream.indirect_vreg.gather [hbm4b:s1+s3], $0x80, v3, vm0, $0xb8;
	[tilespmem:$0x8100] =	vst v63  }
0x11f: {  	_ = 	snop  }
0x120: {  	[tilespmem:s29], [sflag:$0x1] =	stream.indirect_vreg.gather [hbm4b:s4+s3], $0x80, v3, vm0, $0xb8;
	[tilespmem:$0x8100] =	vst v63  }
0x121: {  	_ = 	snop  }
0x122: {  	[tilespmem:s30], [sflag:$0x1] =	stream.indirect_vreg.gather [hbm4b:s5+s3], $0x80, v3, vm0, $0xb8;
	[tilespmem:$0x8100] =	vst v63  }
0x123: {  	_ = 	snop  }
0x124: {  	[tilespmem:s31], [sflag:$0x1] =	stream.indirect_vreg.gather [hbm4b:s6+s3], $0x80, v3, vm0, $0xb8;
	[tilespmem:$0x8100] =	vst v63  }
0x125: {  	_ =	swait.ge [sflag:s2], $0x4000  }
0x126: {  	[sflag:s2] =	ssyncset.done $0x0  }
0x127: {  	[sflag:s2] =	ssyncadd.s32 $0xFFFFC000  }
0x128: {  	[hbm4b:s10+s3] =	stream.linear.scatter [tilespmem:s15], [sflag:$0x2], $0x4000, $0x38;
	[tilespmem:$0x8100] =	vst v63  }
0x129: {  	_ =	swait.ge [sflag:s14], $0x4000  }
0x12a: {  	[sflag:s14] =	ssyncset.done $0x0  }
0x12b: {  	[sflag:s14] =	ssyncadd.s32 $0xFFFFC000  }
0x12c: {  	v3 =	vld [tilespmem:$0xA0];
	_ =	sdelay $0x4  }
0x12d: {  	v63 =	vshll.u32 v3, $0x3  }
0x12e: {  	v3 =	vand.u32 $0x7, v3;
	v4 =	vand.u32 $0xFFFFFFC0, v63  }
0x12f: {  	v3 =	vor.u32 v3, v4  }
0x130: {  	v4 =	vperm.xlane v3, v0;
	_ =	sdelay $0x1  }
0x131: {  	v4 =	vadd.s32 v1, v4;
	_ =	sdelay $0x4  }
0x132: {  	[tilespmem:s15], [sflag:$0x1] =	stream.indirect_vreg.gather [hbm4b:s1+s3], $0x80, v4, vm0, $0xb8;
	[tilespmem:$0x8100] =	vst v63  }
0x133: {  	v3 =	vperm.xlane v3, v2  }
0x134: {  	[tilespmem:s16], [sflag:$0x1] =	stream.indirect_vreg.gather [hbm4b:s4+s3], $0x80, v4, vm0, $0xb8;
	[tilespmem:$0x8100] =	vst v63  }
0x135: {  	v3 =	vadd.s32 v1, v3  }
0x136: {  	[tilespmem:s17], [sflag:$0x1] =	stream.indirect_vreg.gather [hbm4b:s5+s3], $0x80, v4, vm0, $0xb8;
	[tilespmem:$0x8100] =	vst v63  }
0x137: {  	_ = 	snop  }
0x138: {  	[tilespmem:s18], [sflag:$0x1] =	stream.indirect_vreg.gather [hbm4b:s6+s3], $0x80, v4, vm0, $0xb8;
	[tilespmem:$0x8100] =	vst v63  }
0x139: {  	_ = 	snop  }
0x13a: {  	[tilespmem:s19], [sflag:$0x1] =	stream.indirect_vreg.gather [hbm4b:s1+s3], $0x80, v3, vm0, $0xb8;
	[tilespmem:$0x8100] =	vst v63  }
0x13b: {  	_ = 	snop  }
0x13c: {  	[tilespmem:s20], [sflag:$0x1] =	stream.indirect_vreg.gather [hbm4b:s4+s3], $0x80, v3, vm0, $0xb8;
	[tilespmem:$0x8100] =	vst v63  }
0x13d: {  	_ = 	snop  }
0x13e: {  	[tilespmem:s21], [sflag:$0x1] =	stream.indirect_vreg.gather [hbm4b:s5+s3], $0x80, v3, vm0, $0xb8;
	[tilespmem:$0x8100] =	vst v63  }
0x13f: {  	_ = 	snop  }
0x140: {  	[tilespmem:s22], [sflag:$0x1] =	stream.indirect_vreg.gather [hbm4b:s6+s3], $0x80, v3, vm0, $0xb8;
	[tilespmem:$0x8100] =	vst v63  }
0x141: {  	_ =	swait.ge [sflag:s2], $0x4000  }
0x142: {  	[sflag:s2] =	ssyncset.done $0x0  }
0x143: {  	[sflag:s2] =	ssyncadd.s32 $0xFFFFC000  }
0x144: {  	[hbm4b:s11+s3] =	stream.linear.scatter [tilespmem:s23], [sflag:$0x2], $0x4000, $0x38;
	[tilespmem:$0x8100] =	vst v63  }
0x145: {  	_ =	swait.ge [sflag:s14], $0x4000  }
0x146: {  	[sflag:s14] =	ssyncset.done $0x0  }
0x147: {  	[sflag:s14] =	ssyncadd.s32 $0xFFFFC000  }
0x148: {  	_ =	swait.ge [sflag:s2], $0x4000  }
0x149: {  	p0 =	sne.s32 s13, $0x1;
	[sflag:s2] =	ssyncset.done $0x0  }
.Ltmp0:
0x14a: {  	[sflag:s2] =	ssyncadd.s32 $0xFFFFC000;
	(pc) =	sbr.rel @p0 .LBB2_1-.Ltmp0, $4  }
0x14b: {  	[hbm4b:s12+s3] =	stream.linear.scatter [tilespmem:s15], [sflag:$0x2], $0x4000, $0x38;
	[tilespmem:$0x8100] =	vst v63  }
0x14c: {  	_ =	swait.ge [sflag:s14], $0x4000  }
0x14d: {  	[sflag:s14] =	ssyncset.done $0x0  }
0x14e: {  	s13 =	sadd.s32 $0xFFFFFFFF, s13;
	[sflag:s14] =	ssyncadd.s32 $0xFFFFC000  }
0x14f: {  	_ =	sfence.sel $0x180000  }
0x150: {  	[bflag:$0x0] =	sbarrier.arrive $0xFFFF  }
0x151: {  	_ =	strace $0x9000004A  }
0x152: {  	s0 =	stileid.u32;
	[bflag:$0x2] =	sbarrier.arrive $0xFFFF  }
0x153: {  	p0 =	sne.s32 s0, $0x0;
	s0 =	rddreg [dreg:$0x3]  }
0x154: {  	s0 =	sadd.s32 @!p0 $0x100000, s0  }
0x155: {  	[sflag:s0] =	ssyncadd.tile.s32 @!p0 $0x1;
	_ =	shalt  }
.Lfunc_end2:
_tile_overlayer_lowered:
.L_overlay_start_2:
0x156: {  	(tag) =	ssettag $0x2  }
0x157: {  	s0 =	rddreg [dreg:$0x0];
	s2 =	stileid.u32  }
0x158: {  	s1 =	rddreg [dreg:$0x1];
	p0 =	sne.s32 s2, $0x0  }
0x159: {  	s3 =	rddreg [dreg:$0x2];
	[bflag:$0x3] =	sbarrier.arrive $0xFFFF;
	s2 =	simm.s32 @!p0 $0x1C02  }
0x15a: {  	[timem:s3], [sflag:s2] =	dma.local @!p0 [hbm:s0], s1  }
0x15b: {  	s0 =	simm.s32 @!p0 $0x2  }
0x15c: {  	_ =	swait.ge @!p0 [sflag:s0], s1  }
0x15d: {  	s1 =	ssub.s32 @!p0 $0x0, s1;
	[sflag:s0] =	ssyncset.done @!p0 $0x0  }
0x15e: {  	[sflag:s0] =	ssyncadd.s32 @!p0 s1  }
0x15f: {  	[bflag:$0x3] =	sbarrier.arrive $0xFFFF  }
0x160: {  	_ =	shalt  }

// kernel: kernel.15.cloned.1.call-start
scs
__scs_entry_jumppad:
0x0: {  	(pc) =	sbr.rel $0x88, $3  }
0x1: {  	(tag) =	ssettag $0x0;
	lr =	simm.s32 $0x1  }
0x2: {  	[smem:$0x3F9C] =	sst lr;
	_ =	strace $0xD0000000  }
0x3: {  	_ = 	snop  }
0x4: {  	_ = 	snop  }
0x5: {  	_ = 	snop  }
0x6: {  	_ = 	snop  }
0x7: {  	_ = 	snop  }
__scs_overlays_trampoline_lowered:
0x8: {  	[smem:$0x3FAB] =	sst s0  }
0x9: {  	[smem:$0x3FAC] =	sst s1  }
0xa: {  	[smem:$0x3FAD] =	sst s2  }
0xb: {  	[smem:$0x3FAE] =	sst s3  }
0xc: {  	[smem:$0x3FAF] =	sst s4  }
0xd: {  	[smem:$0x3FB0] =	sst s5  }
0xe: {  	[smem:$0x3FB1] =	sst s6  }
0xf: {  	[smem:$0x3FB2] =	sst s7  }
0x10: {  	[smem:$0x3FB3] =	sst s8  }
0x11: {  	[smem:$0x3FB4] =	sst s9;
	s0 =	simm.s32 @!p0 $0x0  }
0x12: {  	s1 =	sld [smem:$0x3F9A];
	s0 =	simm.s32 @p0 $0x1  }
0x13: {  	[smem:$0x3FB5] =	sst s0;
	s0 =	simm.s32 @!p1 $0x0  }
0x14: {  	s2 =	sld [smem:$0x3F99];
	s0 =	simm.s32 @p1 $0x1  }
0x15: {  	[smem:$0x3FB6] =	sst s0;
	s0 =	simm.s32 @!p2 $0x0  }
0x16: {  	s3 =	sld [smem:$0x3FDB];
	s0 =	simm.s32 @p2 $0x1  }
0x17: {  	s4 =	simm.s32 $0x1BF5;
	[smem:$0x3FB8] =	sst s0  }
0x18: {  	s0 =	sld [smem:$0x3F9B];
	_ =	swait.ge [sflag:s4], $0x0  }
0x19: {  	s7 =	sld [smem:$0x3F9C]  }
0x1a: {  	s8 =	sadd.s32 $0xFFFFE003, lr  }
0x1b: {  	s9 =	sadd.s32 $0xFFFFFEF7, lr;
	s5 =	simm.s32 $0xFFFFFFFF;
	p2 =	slt.u32 s8, $0xFFFFF086  }
0x1c: {  	p1 =	slt.u32 s9, $0xF7A;
	s5 =	simm.s32 @!p2 $0x0  }
0x1d: {  	s5 =	simm.s32 @p1 $0x1;
	p0 =	seq.s32 s7, s2  }
0x1e: {  	s7 =	smul.u32 @!p0 $0xF7A, s2;
	p2 =	seq.s32 @!p0 s5, $0x0  }
0x1f: {  	s9 =	smul.u32 $0xF7A, s1;
	s8 =	simm.s32 @!p0 $0x1BF5;
	p2 =	por !p2, p0  }
0x20: {  	[sflag:s8] =	ssyncset.s32 @!p0 $0xFFFFF086;
	s6 =	sadd.s32 @!p0 s3, s7;
	s7 =	simm.s32 @!p0 $0x108  }
0x21: {  	s3 =	sadd.s32 s3, s9;
	s6 =	sadd.s32 @!p0 $0x88, s6;
	s7 =	simm.s32 @p2 $0x1082  }
0x22: {  	[simem:s7], [sflag:s8] =	dma.local @!p0 [hbm:s6], $0xF7A  }
0x23: {  	s9 =	sor.u32 $0xD0000000, s2;
	s6 =	simm.s32 $0x108;
	_ =	swait.ge @!p0 [sflag:s8], $0x0  }
0x24: {  	s3 =	sadd.s32 $0x88, s3;
	s6 =	simm.s32 @!p1 $0x1082;
	[sflag:s4] =	ssyncset.s32 $0xFFFFF086  }
0x25: {  	[simem:s6], [sflag:s4] =	dma.local [hbm:s3], $0xF7A  }
0x26: {  	[smem:$0x3F9C] =	sst s1;
	(tag) =	ssettag s2;
	_ =	strace s9  }
0x27: {  	s1 =	sld [smem:$0x3FAC]  }
0x28: {  	s2 =	sld [smem:$0x3FAD]  }
0x29: {  	s4 =	sld [smem:$0x3FAF]  }
0x2a: {  	p0 =	seq.s32 s5, $0x0;
	s5 =	sld [smem:$0x3FB0]  }
0x2b: {  	s6 =	sld [smem:$0x3FB1]  }
0x2c: {  	s7 =	sld [smem:$0x3FB2]  }
0x2d: {  	s3 =	simm.s32 $0x108;
	s8 =	sld [smem:$0x3FB3]  }
0x2e: {  	s3 =	simm.s32 @!p0 $0x1082;
	s9 =	sld [smem:$0x3FB4]  }
0x2f: {  	lr =	sadd.s32 s0, s3;
	s0 =	sld [smem:$0x3FAB]  }
0x30: {  	s3 =	sld [smem:$0x3FAE]  }
0x31: {  	[smem:$0x3FB7] =	sst s10  }
0x32: {  	s10 =	sld [smem:$0x3FB5];
	_ =	sdelay $0x3  }
0x33: {  	p0 =	seq.s32 s10, $0x1;
	s10 =	sld [smem:$0x3FB7];
	_ =	sdelay $0x3  }
0x34: {  	[smem:$0x3FB7] =	sst s10  }
0x35: {  	s10 =	sld [smem:$0x3FB6];
	_ =	sdelay $0x3  }
0x36: {  	p1 =	seq.s32 s10, $0x1;
	s10 =	sld [smem:$0x3FB7];
	_ =	sdelay $0x3  }
0x37: {  	[smem:$0x3FB7] =	sst s10  }
0x38: {  	s10 =	sld [smem:$0x3FB8]  }
0x39: {  	_ = 	snop;
	(pc) =	sbr.ind lr, $3  }
0x3a: {  	_ = 	snop  }
0x3b: {  	_ = 	snop  }
0x3c: {  	p2 =	seq.s32 s10, $0x1;
	s10 =	sld [smem:$0x3FB7]  }
0x3d: {  	_ =	shalt  }
0x3e: {  	_ =	shalt  }
0x3f: {  	_ =	shalt  }
0x40: {  	_ =	shalt  }
0x41: {  	_ =	shalt  }
0x42: {  	_ =	shalt  }
0x43: {  	_ =	shalt  }
0x44: {  	_ =	shalt  }
0x45: {  	_ =	shalt  }
0x46: {  	_ =	shalt  }
0x47: {  	_ =	shalt  }
0x48: {  	_ =	shalt  }
0x49: {  	_ =	shalt  }
0x4a: {  	_ =	shalt  }
0x4b: {  	_ =	shalt  }
0x4c: {  	_ =	shalt  }
0x4d: {  	_ =	shalt  }
0x4e: {  	_ =	shalt  }
0x4f: {  	_ =	shalt  }
0x50: {  	_ =	shalt  }
0x51: {  	_ =	shalt  }
0x52: {  	_ =	shalt  }
0x53: {  	_ =	shalt  }
0x54: {  	_ =	shalt  }
0x55: {  	_ =	shalt  }
0x56: {  	_ =	shalt  }
0x57: {  	_ =	shalt  }
0x58: {  	_ =	shalt  }
0x59: {  	_ =	shalt  }
0x5a: {  	_ =	shalt  }
0x5b: {  	_ =	shalt  }
0x5c: {  	_ =	shalt  }
0x5d: {  	_ =	shalt  }
0x5e: {  	_ =	shalt  }
0x5f: {  	_ =	shalt  }
0x60: {  	_ =	shalt  }
0x61: {  	_ =	shalt  }
0x62: {  	_ =	shalt  }
0x63: {  	_ =	shalt  }
0x64: {  	_ =	shalt  }
0x65: {  	_ =	shalt  }
0x66: {  	_ =	shalt  }
0x67: {  	_ =	shalt  }
0x68: {  	_ =	shalt  }
0x69: {  	_ =	shalt  }
0x6a: {  	_ =	shalt  }
0x6b: {  	_ =	shalt  }
0x6c: {  	_ =	shalt  }
0x6d: {  	_ =	shalt  }
0x6e: {  	_ =	shalt  }
0x6f: {  	_ =	shalt  }
0x70: {  	_ =	shalt  }
0x71: {  	_ =	shalt  }
0x72: {  	_ =	shalt  }
0x73: {  	_ =	shalt  }
0x74: {  	_ =	shalt  }
0x75: {  	_ =	shalt  }
0x76: {  	_ =	shalt  }
0x77: {  	_ =	shalt  }
0x78: {  	_ =	shalt  }
0x79: {  	_ =	shalt  }
0x7a: {  	_ =	shalt  }
0x7b: {  	_ =	shalt  }
0x7c: {  	_ =	shalt  }
0x7d: {  	_ =	shalt  }
0x7e: {  	_ =	shalt  }
0x7f: {  	_ =	shalt  }
0x80: {  	_ =	shalt  }
0x81: {  	_ =	shalt  }
0x82: {  	_ =	shalt  }
0x83: {  	_ =	shalt  }
0x84: {  	_ =	shalt  }
0x85: {  	_ =	shalt  }
0x86: {  	_ =	shalt  }
0x87: {  	_ =	shalt  }
.Lfunc_end0:
.L_simem_size_0:
called_computation.2_lowered:
.L_overlay_start_0:
0x88: {  	s2 =	sld [smem:$0x3FD9]  }
0x89: {  	s3 =	sld [smem:$0x3FFE];
	_ =	sdelay $0x1  }
0x8a: {  	s1 =	srdreg.scid  }
0x8b: {  	s0 =	sand.u32 $0x1, s1  }
0x8c: {  	s16 =	sshll.u32 s0, $0xA;
	s2 =	sadd.s32 s3, s2  }
0x8d: {  	s2 =	sadd.s32 s2, s16  }
0x8e: {  	[smem:$0x3FC3] =	sst s2  }
0x8f: {  	_ = 	snop  }
0x90: {  	(tm) =	ssettm $0x1  }
0x91: {  	s17 =	sld [smem:$0x3FFB];
	_ =	sdelay $0x3  }
0x92: {  	_ =	strace s17  }
0x93: {  	s2 =	sld [smem:$0x3FFC];
	_ =	sdelay $0x3  }
0x94: {  	_ =	strace s2  }
0x95: {  	s2 =	sld [smem:$0x3FFD];
	_ =	sdelay $0x3  }
0x96: {  	_ =	strace s2  }
0x97: {  	_ =	strace $0x8FFFFFFF  }
0x98: {  	s18 =	sld [smem:$0x3FDB];
	_ =	sdelay $0x1  }
0x99: {  	s19 =	simm.s32 $_scs_section_size  }
0x9a: {  	s4 =	simm.s32 $_size__tile_overlayer_lowered;
	s5 =	simm.s32 $_tile_overlayer_lowered  }
0x9b: {  	s22 =	simm.s32 $0x1BFF;
	s21 =	sshll.u32 s5, $0x1;
	s2 =	sadd.s32 s19, s18  }
0x9c: {  	s6 =	simm.s32 $0x0;
	s20 =	sshll.u32 s4, $0x1;
	s4 =	sadd.s32 s21, s2  }
0x9d: {  	[timem:s6], [sflag:s22] =	dma.local [hbm:s4], s20  }
0x9e: {  	_ =	swait.ge [sflag:s22], s20  }
0x9f: {  	s3 =	ssub.s32 $0x0, s20;
	[sflag:s22] =	ssyncset.done $0x0  }
0xa0: {  	[sflag:s22] =	ssyncadd.s32 s3;
	_ =	sdelay $0x1  }
0xa1: {  	s23 =	simm.s32 $0x1B8B  }
0xa2: {  	_ =	swait.ge [sflag:s23], $0x1  }
0xa3: {  	[sflag:s23] =	ssyncset.done $0x0  }
0xa4: {  	s25 =	simm.s32 $0x1B8E;
	s24 =	sld [smem:$0x3FFE];
	[sflag:s23] =	ssyncadd.s32 $0xFFFFFFFF  }
0xa5: {  	s26 =	simm.s32 $execute0_lowered;
	[smem:$0x3FD2] =	sst s25  }
0xa6: {  	s4 =	sshll.u32 s26, $0x1;
	_ =	strace $0x8000004C;
	[dreg:$0x1] =	wrdreg $0xFFFFFFFF  }
0xa7: {  	s28 =	simm.s32 $_size_execute0_lowered;
	s2 =	sadd.s32 s2, s4;
	[dreg:$0x0] =	wrdreg $0x0  }
0xa8: {  	s4 =	sshll.u32 s28, $0x1;
	[dreg:$0x2] =	wrdreg s2  }
0xa9: {  	[dreg:$0x3] =	wrdreg s4  }
0xaa: {  	[dreg:$0x4] =	wrdreg $0xC0  }
0xab: {  	_ =	task [dreg:s6], $0x5FFFF  }
0xac: {  	[dreg:$0x1] =	wrdreg $0xFFFFFFFF  }
0xad: {  	[dreg:$0x0] =	wrdreg $0x60  }
0xae: {  	[dreg:$0x2] =	wrdreg s24  }
0xaf: {  	[dreg:$0x3] =	wrdreg $0x9  }
0xb0: {  	_ =	task.clear_ibuf [dreg:s6], $0x4FFFF;
	_ =	strace $0x9000004C  }
0xb1: {  	s29 =	simm.s32 $0x9;
	_ =	strace $0x8000004E  }
0xb2: {  	_ =	swait.ge [sflag:s29], $0x1  }
0xb3: {  	[sflag:s29] =	ssyncadd.s32 $0xFFFFFFFF  }
0xb4: {  	_ =	strace $0x9000004E  }
0xb5: {  	_ =	sfence  }
0xb6: {  	s30 =	sld [smem:$0x0];
	_ =	sdelay $0x2  }
0xb7: {  	s31 =	sshll.u32 s1, $0xD;
	s1 =	sshrl.u32 s1, $0x2  }
0xb8: {  	s3 =	sand.u32 $0x4000, s31;
	s1 =	sadd.s32 s1, s30  }
0xb9: {  	s0 =	sor.u32 s3, s0;
	s1 =	sshll.u32 s1, $0x11  }
0xba: {  	s0 =	sor.u32 s1, s0  }
0xbb: {  	s0 =	sadd.s32 $0x8F2B, s0  }
0xbc: {  	[sflag:s0] =	ssyncadd.remote.s32 $0x1  }
0xbd: {  	_ =	sfence.sel $0xFFFF  }
0xbe: {  	[dreg:$0x0] =	wrdreg $0xFFFFFFFF;
	(pc) =	sbr.abs _section_cstart, $3  }
0xbf: {  	[dreg:$0x1] =	wrdreg $0xFFFFFFFF  }
0xc0: {  	_ =	task.clear_ibuf [dreg:s6], $0x2FFFF;
	_ =	strace $0x9FFFFFFF  }
0xc1: {  	(tm) =	ssettm $0x7FFFFFFF  }
tec
execute0_lowered:
.L_overlay_start_1:
0x0: {  	(tag) =	ssettag $0x1  }
0x1: {  	s0 =	rddreg [dreg:$0x0]  }
0x2: {  	s1 =	srdreg.scid;
	s3 =	stileid.u32;
	s2 =	simm.s32 $0x0  }
0x3: {  	s18 =	simm.s32 $0x1;
	s20 =	simm.s32 $0x880;
	s21 =	simm.s32 $0x1080  }
0x4: {  	s22 =	simm.s32 $0x1880;
	s23 =	simm.s32 $0x2080;
	s28 =	simm.s32 $0x3880  }
0x5: {  	s29 =	simm.s32 $0x4080;
	s30 =	simm.s32 $0x4880;
	s31 =	simm.s32 $0x5080  }
0x6: {  	s9 =	simm.s32 $0x5880;
	s10 =	simm.s32 $0x6880;
	s11 =	simm.s32 $0x7080  }
0x7: {  	s12 =	simm.s32 $0x7880;
	s13 =	simm.s32 $0x8880;
	s14 =	simm.s32 $0x9080  }
0x8: {  	s15 =	simm.s32 $0x9880;
	s16 =	simm.s32 $0xA080;
	s1 =	sand.u32 $0x1, s1  }
0x9: {  	s3 =	sshll.u32 s3, $0x8;
	[smem:$0x7FF] =	sst s2;
	s4 =	sshll.u32 s1, $0x7  }
0xa: {  	s17 =	simm.s32 $0xA880;
	_ =	strace $0x8000004D;
	s4 =	sor.u32 s4, s3  }
0xb: {  	s1 =	ssub.s32 $0x2, s1;
	s3 =	sadd.s32 $0x3B1A00, s0;
	s5 =	sshrl.u32 s4, $0x3  }
0xc: {  	s24 =	sshrl.u32 s1, $0x1;
	s4 =	sshll.u32 s4, $0x7;
	s5 =	sadd.s32 s5, s0  }
0xd: {  	s1 =	ssub.s32 s1, s24;
	s7 =	sadd.s32 s4, s0;
	s5 =	sadd.s32 $0x1200, s5  }
0xe: {  	s24 =	simm.s32 $0x2880;
	s25 =	sadd.s32 $0x1400, s7;
	[dreg:$0x2] =	wrdreg s5  }
0xf: {  	s4 =	sadd.s32 $0x3B1B00, s0;
	s6 =	sadd.s32 $0x2400, s7;
	[dreg:$0x3] =	wrdreg s25  }
0x10: {  	s8 =	sadd.s32 $0x3400, s7;
	s26 =	sadd.s32 $0x4400, s7;
	[dreg:$0x4] =	wrdreg s6  }
0x11: {  	v2 =	vlaneseq.u32;
	s7 =	smax.u32 s1, $0x1;
	s5 =	sadd.s32 $0x3B1C00, s0;
	[dreg:$0x5] =	wrdreg s8  }
0x12: {  	vm0 =	vmmov $0xffff;
	v1 =	vshrl.u32 v2, $0x3;
	s6 =	sadd.s32 $0x3B1D00, s0;
	[dreg:$0x6] =	wrdreg s26;
	s8 =	simm.s32 $0x2  }
0x13: {  	v0 =	vand.u32 $0x7, v2;
	v2 =	vor.u32 $0x8, v2;
	v1 =	vmul.u32 $0x8, v1;
	s25 =	simm.s32 $0x80;
	s26 =	simm.s32 $0x3080;
	s0 =	simm.s32 $0x8080  }
.LBB2_1:
0x14: {  	s19 =	rddreg [dreg:$0x2]  }
0x15: {  	[tilespmem:s2], [sflag:$0x2] =	stream.linear.gather [hbm4b:s19+s2], $0x80, $0x38;
	[tilespmem:$0x10080] =	vst v63  }
0x16: {  	_ =	swait.ge [sflag:s8], $0x80  }
0x17: {  	[sflag:s8] =	ssyncset.done $0x0  }
0x18: {  	[sflag:s8] =	ssyncadd.s32 $0xFFFFFF80  }
0x19: {  	v3 =	vld [tilespmem:$0x0];
	_ =	sdelay $0x4  }
0x1a: {  	v4 =	vshll.u32 v3, $0x3  }
0x1b: {  	v3 =	vand.u32 $0x7, v3;
	v4 =	vand.u32 $0xFFFFFFC0, v4  }
0x1c: {  	v3 =	vor.u32 v3, v4  }
0x1d: {  	v4 =	vperm.xlane v3, v0;
	_ =	sdelay $0x1  }
0x1e: {  	v4 =	vadd.s32 v1, v4;
	_ =	sdelay $0x4  }
0x1f: {  	[tilespmem:s25], [sflag:$0x1] =	stream.indirect_vreg.gather [hbm4b:s3+s2], $0x80, v4, vm0, $0xb8;
	[tilespmem:$0x10080] =	vst v63  }
0x20: {  	v3 =	vperm.xlane v3, v2  }
0x21: {  	[tilespmem:s20], [sflag:$0x1] =	stream.indirect_vreg.gather [hbm4b:s4+s2], $0x80, v4, vm0, $0xb8;
	[tilespmem:$0x10080] =	vst v63  }
0x22: {  	v3 =	vadd.s32 v1, v3  }
0x23: {  	[tilespmem:s21], [sflag:$0x1] =	stream.indirect_vreg.gather [hbm4b:s5+s2], $0x80, v4, vm0, $0xb8;
	[tilespmem:$0x10080] =	vst v63  }
0x24: {  	_ = 	snop  }
0x25: {  	[tilespmem:s22], [sflag:$0x1] =	stream.indirect_vreg.gather [hbm4b:s6+s2], $0x80, v4, vm0, $0xb8;
	[tilespmem:$0x10080] =	vst v63  }
0x26: {  	_ = 	snop  }
0x27: {  	[tilespmem:s23], [sflag:$0x1] =	stream.indirect_vreg.gather [hbm4b:s3+s2], $0x80, v3, vm0, $0xb8;
	[tilespmem:$0x10080] =	vst v63  }
0x28: {  	_ = 	snop  }
0x29: {  	[tilespmem:s24], [sflag:$0x1] =	stream.indirect_vreg.gather [hbm4b:s4+s2], $0x80, v3, vm0, $0xb8;
	[tilespmem:$0x10080] =	vst v63  }
0x2a: {  	_ = 	snop  }
0x2b: {  	[tilespmem:s26], [sflag:$0x1] =	stream.indirect_vreg.gather [hbm4b:s5+s2], $0x80, v3, vm0, $0xb8;
	[tilespmem:$0x10080] =	vst v63  }
0x2c: {  	_ = 	snop  }
0x2d: {  	[tilespmem:s28], [sflag:$0x1] =	stream.indirect_vreg.gather [hbm4b:s6+s2], $0x80, v3, vm0, $0xb8;
	[tilespmem:$0x10080] =	vst v63  }
0x2e: {  	v3 =	vld [tilespmem:$0x10];
	_ =	sdelay $0x4  }
0x2f: {  	v57 =	vshll.u32 v3, $0x3  }
0x30: {  	v3 =	vand.u32 $0x7, v3;
	v4 =	vand.u32 $0xFFFFFFC0, v57  }
0x31: {  	v3 =	vor.u32 v3, v4  }
0x32: {  	v4 =	vperm.xlane v3, v0;
	_ =	sdelay $0x1  }
0x33: {  	v4 =	vadd.s32 v1, v4;
	_ =	sdelay $0x4  }
0x34: {  	[tilespmem:s29], [sflag:$0x1] =	stream.indirect_vreg.gather [hbm4b:s3+s2], $0x80, v4, vm0, $0xb8;
	[tilespmem:$0x10080] =	vst v63  }
0x35: {  	v3 =	vperm.xlane v3, v2  }
0x36: {  	[tilespmem:s30], [sflag:$0x1] =	stream.indirect_vreg.gather [hbm4b:s4+s2], $0x80, v4, vm0, $0xb8;
	[tilespmem:$0x10080] =	vst v63  }
0x37: {  	v3 =	vadd.s32 v1, v3  }
0x38: {  	[tilespmem:s31], [sflag:$0x1] =	stream.indirect_vreg.gather [hbm4b:s5+s2], $0x80, v4, vm0, $0xb8;
	[tilespmem:$0x10080] =	vst v63  }
0x39: {  	_ = 	snop  }
0x3a: {  	[tilespmem:s9], [sflag:$0x1] =	stream.indirect_vreg.gather [hbm4b:s6+s2], $0x80, v4, vm0, $0xb8;
	[tilespmem:$0x10080] =	vst v63  }
0x3b: {  	s1 =	simm.s32 $0x6080  }
0x3c: {  	[tilespmem:s1], [sflag:$0x1] =	stream.indirect_vreg.gather [hbm4b:s3+s2], $0x80, v3, vm0, $0xb8;
	[tilespmem:$0x10080] =	vst v63  }
0x3d: {  	_ = 	snop  }
0x3e: {  	[tilespmem:s10], [sflag:$0x1] =	stream.indirect_vreg.gather [hbm4b:s4+s2], $0x80, v3, vm0, $0xb8;
	[tilespmem:$0x10080] =	vst v63  }
0x3f: {  	_ = 	snop  }
0x40: {  	[tilespmem:s11], [sflag:$0x1] =	stream.indirect_vreg.gather [hbm4b:s5+s2], $0x80, v3, vm0, $0xb8;
	[tilespmem:$0x10080] =	vst v63  }
0x41: {  	_ = 	snop  }
0x42: {  	[tilespmem:s12], [sflag:$0x1] =	stream.indirect_vreg.gather [hbm4b:s6+s2], $0x80, v3, vm0, $0xb8;
	[tilespmem:$0x10080] =	vst v63  }
0x43: {  	v3 =	vld [tilespmem:$0x20];
	_ =	sdelay $0x4  }
0x44: {  	v58 =	vshll.u32 v3, $0x3  }
0x45: {  	v3 =	vand.u32 $0x7, v3;
	v4 =	vand.u32 $0xFFFFFFC0, v58  }
0x46: {  	v3 =	vor.u32 v3, v4  }
0x47: {  	v4 =	vperm.xlane v3, v0;
	_ =	sdelay $0x1  }
0x48: {  	v4 =	vadd.s32 v1, v4;
	_ =	sdelay $0x4  }
0x49: {  	[tilespmem:s0], [sflag:$0x1] =	stream.indirect_vreg.gather [hbm4b:s3+s2], $0x80, v4, vm0, $0xb8;
	[tilespmem:$0x10080] =	vst v63  }
0x4a: {  	v3 =	vperm.xlane v3, v2  }
0x4b: {  	[tilespmem:s13], [sflag:$0x1] =	stream.indirect_vreg.gather [hbm4b:s4+s2], $0x80, v4, vm0, $0xb8;
	[tilespmem:$0x10080] =	vst v63  }
0x4c: {  	v3 =	vadd.s32 v1, v3  }
0x4d: {  	[tilespmem:s14], [sflag:$0x1] =	stream.indirect_vreg.gather [hbm4b:s5+s2], $0x80, v4, vm0, $0xb8;
	[tilespmem:$0x10080] =	vst v63  }
0x4e: {  	_ = 	snop  }
0x4f: {  	[tilespmem:s15], [sflag:$0x1] =	stream.indirect_vreg.gather [hbm4b:s6+s2], $0x80, v4, vm0, $0xb8;
	[tilespmem:$0x10080] =	vst v63  }
0x50: {  	_ = 	snop  }
0x51: {  	[tilespmem:s16], [sflag:$0x1] =	stream.indirect_vreg.gather [hbm4b:s3+s2], $0x80, v3, vm0, $0xb8;
	[tilespmem:$0x10080] =	vst v63  }
0x52: {  	_ = 	snop  }
0x53: {  	[tilespmem:s17], [sflag:$0x1] =	stream.indirect_vreg.gather [hbm4b:s4+s2], $0x80, v3, vm0, $0xb8;
	[tilespmem:$0x10080] =	vst v63  }
0x54: {  	s19 =	simm.s32 $0xB080  }
0x55: {  	[tilespmem:s19], [sflag:$0x1] =	stream.indirect_vreg.gather [hbm4b:s5+s2], $0x80, v3, vm0, $0xb8;
	[tilespmem:$0x10080] =	vst v63  }
0x56: {  	s19 =	simm.s32 $0xB880  }
0x57: {  	[tilespmem:s19], [sflag:$0x1] =	stream.indirect_vreg.gather [hbm4b:s6+s2], $0x80, v3, vm0, $0xb8;
	[tilespmem:$0x10080] =	vst v63  }
0x58: {  	v3 =	vld [tilespmem:$0x30];
	_ =	sdelay $0x4  }
0x59: {  	v59 =	vshll.u32 v3, $0x3  }
0x5a: {  	v3 =	vand.u32 $0x7, v3;
	v4 =	vand.u32 $0xFFFFFFC0, v59  }
0x5b: {  	v3 =	vor.u32 v3, v4  }
0x5c: {  	v4 =	vperm.xlane v3, v0;
	_ =	sdelay $0x1  }
0x5d: {  	v4 =	vadd.s32 v1, v4;
	_ =	sdelay $0x3  }
0x5e: {  	s19 =	simm.s32 $0xC080  }
0x5f: {  	[tilespmem:s19], [sflag:$0x1] =	stream.indirect_vreg.gather [hbm4b:s3+s2], $0x80, v4, vm0, $0xb8;
	[tilespmem:$0x10080] =	vst v63  }
0x60: {  	v3 =	vperm.xlane v3, v2;
	s19 =	simm.s32 $0xC880  }
0x61: {  	[tilespmem:s19], [sflag:$0x1] =	stream.indirect_vreg.gather [hbm4b:s4+s2], $0x80, v4, vm0, $0xb8;
	[tilespmem:$0x10080] =	vst v63  }
0x62: {  	v3 =	vadd.s32 v1, v3;
	s19 =	simm.s32 $0xD080  }
0x63: {  	[tilespmem:s19], [sflag:$0x1] =	stream.indirect_vreg.gather [hbm4b:s5+s2], $0x80, v4, vm0, $0xb8;
	[tilespmem:$0x10080] =	vst v63  }
0x64: {  	s19 =	simm.s32 $0xD880  }
0x65: {  	[tilespmem:s19], [sflag:$0x1] =	stream.indirect_vreg.gather [hbm4b:s6+s2], $0x80, v4, vm0, $0xb8;
	[tilespmem:$0x10080] =	vst v63  }
0x66: {  	s19 =	simm.s32 $0xE080  }
0x67: {  	[tilespmem:s19], [sflag:$0x1] =	stream.indirect_vreg.gather [hbm4b:s3+s2], $0x80, v3, vm0, $0xb8;
	[tilespmem:$0x10080] =	vst v63  }
0x68: {  	s19 =	simm.s32 $0xE880  }
0x69: {  	[tilespmem:s19], [sflag:$0x1] =	stream.indirect_vreg.gather [hbm4b:s4+s2], $0x80, v3, vm0, $0xb8;
	[tilespmem:$0x10080] =	vst v63  }
0x6a: {  	s19 =	simm.s32 $0xF080  }
0x6b: {  	[tilespmem:s19], [sflag:$0x1] =	stream.indirect_vreg.gather [hbm4b:s5+s2], $0x80, v3, vm0, $0xb8;
	[tilespmem:$0x10080] =	vst v63  }
0x6c: {  	s19 =	simm.s32 $0xF880  }
0x6d: {  	[tilespmem:s19], [sflag:$0x1] =	stream.indirect_vreg.gather [hbm4b:s6+s2], $0x80, v3, vm0, $0xb8;
	[tilespmem:$0x10080] =	vst v63  }
0x6e: {  	_ =	swait.ge [sflag:s18], $0x8000  }
0x6f: {  	[sflag:s18] =	ssyncset.done $0x0  }
0x70: {  	s19 =	rddreg [dreg:$0x3];
	[sflag:s18] =	ssyncadd.s32 $0xFFFF8000  }
0x71: {  	[hbm4b:s19+s2] =	stream.linear.scatter [tilespmem:s25], [sflag:$0x2], $0x8000, $0x38;
	[tilespmem:$0x10080] =	vst v63  }
0x72: {  	_ =	swait.ge [sflag:s8], $0x8000  }
0x73: {  	[sflag:s8] =	ssyncset.done $0x0  }
0x74: {  	[sflag:s8] =	ssyncadd.s32 $0xFFFF8000  }
0x75: {  	v3 =	vld [tilespmem:$0x40];
	_ =	sdelay $0x4  }
0x76: {  	v60 =	vshll.u32 v3, $0x3  }
0x77: {  	v3 =	vand.u32 $0x7, v3;
	v4 =	vand.u32 $0xFFFFFFC0, v60  }
0x78: {  	v3 =	vor.u32 v3, v4  }
0x79: {  	v4 =	vperm.xlane v3, v0;
	_ =	sdelay $0x1  }
0x7a: {  	v4 =	vadd.s32 v1, v4;
	_ =	sdelay $0x4  }
0x7b: {  	[tilespmem:s25], [sflag:$0x1] =	stream.indirect_vreg.gather [hbm4b:s3+s2], $0x80, v4, vm0, $0xb8;
	[tilespmem:$0x10080] =	vst v63  }
0x7c: {  	v3 =	vperm.xlane v3, v2  }
0x7d: {  	[tilespmem:s20], [sflag:$0x1] =	stream.indirect_vreg.gather [hbm4b:s4+s2], $0x80, v4, vm0, $0xb8;
	[tilespmem:$0x10080] =	vst v63  }
0x7e: {  	v3 =	vadd.s32 v1, v3  }
0x7f: {  	[tilespmem:s21], [sflag:$0x1] =	stream.indirect_vreg.gather [hbm4b:s5+s2], $0x80, v4, vm0, $0xb8;
	[tilespmem:$0x10080] =	vst v63  }
0x80: {  	_ = 	snop  }
0x81: {  	[tilespmem:s22], [sflag:$0x1] =	stream.indirect_vreg.gather [hbm4b:s6+s2], $0x80, v4, vm0, $0xb8;
	[tilespmem:$0x10080] =	vst v63  }
0x82: {  	_ = 	snop  }
0x83: {  	[tilespmem:s23], [sflag:$0x1] =	stream.indirect_vreg.gather [hbm4b:s3+s2], $0x80, v3, vm0, $0xb8;
	[tilespmem:$0x10080] =	vst v63  }
0x84: {  	_ = 	snop  }
0x85: {  	[tilespmem:s24], [sflag:$0x1] =	stream.indirect_vreg.gather [hbm4b:s4+s2], $0x80, v3, vm0, $0xb8;
	[tilespmem:$0x10080] =	vst v63  }
0x86: {  	_ = 	snop  }
0x87: {  	[tilespmem:s26], [sflag:$0x1] =	stream.indirect_vreg.gather [hbm4b:s5+s2], $0x80, v3, vm0, $0xb8;
	[tilespmem:$0x10080] =	vst v63  }
0x88: {  	_ = 	snop  }
0x89: {  	[tilespmem:s28], [sflag:$0x1] =	stream.indirect_vreg.gather [hbm4b:s6+s2], $0x80, v3, vm0, $0xb8;
	[tilespmem:$0x10080] =	vst v63  }
0x8a: {  	v3 =	vld [tilespmem:$0x50];
	_ =	sdelay $0x4  }
0x8b: {  	v61 =	vshll.u32 v3, $0x3  }
0x8c: {  	v3 =	vand.u32 $0x7, v3;
	v4 =	vand.u32 $0xFFFFFFC0, v61  }
0x8d: {  	v3 =	vor.u32 v3, v4  }
0x8e: {  	v4 =	vperm.xlane v3, v0;
	_ =	sdelay $0x1  }
0x8f: {  	v4 =	vadd.s32 v1, v4;
	_ =	sdelay $0x4  }
0x90: {  	[tilespmem:s29], [sflag:$0x1] =	stream.indirect_vreg.gather [hbm4b:s3+s2], $0x80, v4, vm0, $0xb8;
	[tilespmem:$0x10080] =	vst v63  }
0x91: {  	v3 =	vperm.xlane v3, v2  }
0x92: {  	[tilespmem:s30], [sflag:$0x1] =	stream.indirect_vreg.gather [hbm4b:s4+s2], $0x80, v4, vm0, $0xb8;
	[tilespmem:$0x10080] =	vst v63  }
0x93: {  	v3 =	vadd.s32 v1, v3  }
0x94: {  	[tilespmem:s31], [sflag:$0x1] =	stream.indirect_vreg.gather [hbm4b:s5+s2], $0x80, v4, vm0, $0xb8;
	[tilespmem:$0x10080] =	vst v63  }
0x95: {  	_ = 	snop  }
0x96: {  	[tilespmem:s9], [sflag:$0x1] =	stream.indirect_vreg.gather [hbm4b:s6+s2], $0x80, v4, vm0, $0xb8;
	[tilespmem:$0x10080] =	vst v63  }
0x97: {  	_ = 	snop  }
0x98: {  	[tilespmem:s1], [sflag:$0x1] =	stream.indirect_vreg.gather [hbm4b:s3+s2], $0x80, v3, vm0, $0xb8;
	[tilespmem:$0x10080] =	vst v63  }
0x99: {  	_ = 	snop  }
0x9a: {  	[tilespmem:s10], [sflag:$0x1] =	stream.indirect_vreg.gather [hbm4b:s4+s2], $0x80, v3, vm0, $0xb8;
	[tilespmem:$0x10080] =	vst v63  }
0x9b: {  	_ = 	snop  }
0x9c: {  	[tilespmem:s11], [sflag:$0x1] =	stream.indirect_vreg.gather [hbm4b:s5+s2], $0x80, v3, vm0, $0xb8;
	[tilespmem:$0x10080] =	vst v63  }
0x9d: {  	_ = 	snop  }
0x9e: {  	[tilespmem:s12], [sflag:$0x1] =	stream.indirect_vreg.gather [hbm4b:s6+s2], $0x80, v3, vm0, $0xb8;
	[tilespmem:$0x10080] =	vst v63  }
0x9f: {  	_ =	swait.ge [sflag:s18], $0x8000  }
0xa0: {  	[sflag:s18] =	ssyncset.done $0x0  }
0xa1: {  	s1 =	rddreg [dreg:$0x4];
	[sflag:s18] =	ssyncadd.s32 $0xFFFF8000  }
0xa2: {  	[hbm4b:s1+s2] =	stream.linear.scatter [tilespmem:s0], [sflag:$0x2], $0x8000, $0x38;
	[tilespmem:$0x10080] =	vst v63  }
0xa3: {  	_ =	swait.ge [sflag:s8], $0x8000  }
0xa4: {  	[sflag:s8] =	ssyncset.done $0x0  }
0xa5: {  	[sflag:s8] =	ssyncadd.s32 $0xFFFF8000  }
0xa6: {  	v3 =	vld [tilespmem:$0x60];
	_ =	sdelay $0x4  }
0xa7: {  	v62 =	vshll.u32 v3, $0x3  }
0xa8: {  	v3 =	vand.u32 $0x7, v3;
	v4 =	vand.u32 $0xFFFFFFC0, v62  }
0xa9: {  	v3 =	vor.u32 v3, v4  }
0xaa: {  	v4 =	vperm.xlane v3, v0;
	_ =	sdelay $0x1  }
0xab: {  	v4 =	vadd.s32 v1, v4;
	_ =	sdelay $0x4  }
0xac: {  	[tilespmem:s0], [sflag:$0x1] =	stream.indirect_vreg.gather [hbm4b:s3+s2], $0x80, v4, vm0, $0xb8;
	[tilespmem:$0x10080] =	vst v63  }
0xad: {  	v3 =	vperm.xlane v3, v2  }
0xae: {  	[tilespmem:s13], [sflag:$0x1] =	stream.indirect_vreg.gather [hbm4b:s4+s2], $0x80, v4, vm0, $0xb8;
	[tilespmem:$0x10080] =	vst v63  }
0xaf: {  	v3 =	vadd.s32 v1, v3  }
0xb0: {  	[tilespmem:s14], [sflag:$0x1] =	stream.indirect_vreg.gather [hbm4b:s5+s2], $0x80, v4, vm0, $0xb8;
	[tilespmem:$0x10080] =	vst v63  }
0xb1: {  	_ = 	snop  }
0xb2: {  	[tilespmem:s15], [sflag:$0x1] =	stream.indirect_vreg.gather [hbm4b:s6+s2], $0x80, v4, vm0, $0xb8;
	[tilespmem:$0x10080] =	vst v63  }
0xb3: {  	_ = 	snop  }
0xb4: {  	[tilespmem:s16], [sflag:$0x1] =	stream.indirect_vreg.gather [hbm4b:s3+s2], $0x80, v3, vm0, $0xb8;
	[tilespmem:$0x10080] =	vst v63  }
0xb5: {  	_ = 	snop  }
0xb6: {  	[tilespmem:s17], [sflag:$0x1] =	stream.indirect_vreg.gather [hbm4b:s4+s2], $0x80, v3, vm0, $0xb8;
	[tilespmem:$0x10080] =	vst v63  }
0xb7: {  	s19 =	simm.s32 $0xB080  }
0xb8: {  	[tilespmem:s19], [sflag:$0x1] =	stream.indirect_vreg.gather [hbm4b:s5+s2], $0x80, v3, vm0, $0xb8;
	[tilespmem:$0x10080] =	vst v63  }
0xb9: {  	s19 =	simm.s32 $0xB880  }
0xba: {  	[tilespmem:s19], [sflag:$0x1] =	stream.indirect_vreg.gather [hbm4b:s6+s2], $0x80, v3, vm0, $0xb8;
	[tilespmem:$0x10080] =	vst v63  }
0xbb: {  	v3 =	vld [tilespmem:$0x70];
	_ =	sdelay $0x4  }
0xbc: {  	v63 =	vshll.u32 v3, $0x3  }
0xbd: {  	v3 =	vand.u32 $0x7, v3;
	v4 =	vand.u32 $0xFFFFFFC0, v63  }
0xbe: {  	v3 =	vor.u32 v3, v4  }
0xbf: {  	v4 =	vperm.xlane v3, v0;
	_ =	sdelay $0x1  }
0xc0: {  	v4 =	vadd.s32 v1, v4;
	_ =	sdelay $0x3  }
0xc1: {  	s19 =	simm.s32 $0xC080  }
0xc2: {  	[tilespmem:s19], [sflag:$0x1] =	stream.indirect_vreg.gather [hbm4b:s3+s2], $0x80, v4, vm0, $0xb8;
	[tilespmem:$0x10080] =	vst v63  }
0xc3: {  	v3 =	vperm.xlane v3, v2;
	s19 =	simm.s32 $0xC880  }
0xc4: {  	[tilespmem:s19], [sflag:$0x1] =	stream.indirect_vreg.gather [hbm4b:s4+s2], $0x80, v4, vm0, $0xb8;
	[tilespmem:$0x10080] =	vst v63  }
0xc5: {  	v3 =	vadd.s32 v1, v3;
	s19 =	simm.s32 $0xD080  }
0xc6: {  	[tilespmem:s19], [sflag:$0x1] =	stream.indirect_vreg.gather [hbm4b:s5+s2], $0x80, v4, vm0, $0xb8;
	[tilespmem:$0x10080] =	vst v63  }
0xc7: {  	s19 =	simm.s32 $0xD880  }
0xc8: {  	[tilespmem:s19], [sflag:$0x1] =	stream.indirect_vreg.gather [hbm4b:s6+s2], $0x80, v4, vm0, $0xb8;
	[tilespmem:$0x10080] =	vst v63  }
0xc9: {  	s19 =	simm.s32 $0xE080  }
0xca: {  	[tilespmem:s19], [sflag:$0x1] =	stream.indirect_vreg.gather [hbm4b:s3+s2], $0x80, v3, vm0, $0xb8;
	[tilespmem:$0x10080] =	vst v63  }
0xcb: {  	s19 =	simm.s32 $0xE880  }
0xcc: {  	[tilespmem:s19], [sflag:$0x1] =	stream.indirect_vreg.gather [hbm4b:s4+s2], $0x80, v3, vm0, $0xb8;
	[tilespmem:$0x10080] =	vst v63  }
0xcd: {  	s19 =	simm.s32 $0xF080  }
0xce: {  	[tilespmem:s19], [sflag:$0x1] =	stream.indirect_vreg.gather [hbm4b:s5+s2], $0x80, v3, vm0, $0xb8;
	[tilespmem:$0x10080] =	vst v63  }
0xcf: {  	s19 =	simm.s32 $0xF880  }
0xd0: {  	[tilespmem:s19], [sflag:$0x1] =	stream.indirect_vreg.gather [hbm4b:s6+s2], $0x80, v3, vm0, $0xb8;
	[tilespmem:$0x10080] =	vst v63  }
0xd1: {  	_ =	swait.ge [sflag:s18], $0x8000  }
0xd2: {  	[sflag:s18] =	ssyncset.done $0x0  }
0xd3: {  	s1 =	rddreg [dreg:$0x5];
	[sflag:s18] =	ssyncadd.s32 $0xFFFF8000  }
0xd4: {  	[hbm4b:s1+s2] =	stream.linear.scatter [tilespmem:s25], [sflag:$0x2], $0x8000, $0x38;
	[tilespmem:$0x10080] =	vst v63  }
0xd5: {  	_ =	swait.ge [sflag:s8], $0x8000  }
0xd6: {  	[sflag:s8] =	ssyncset.done $0x0  }
0xd7: {  	[sflag:s8] =	ssyncadd.s32 $0xFFFF8000  }
0xd8: {  	_ =	swait.ge [sflag:s18], $0x8000  }
0xd9: {  	p0 =	sne.s32 s7, $0x1;
	[sflag:s18] =	ssyncset.done $0x0  }
.Ltmp0:
0xda: {  	s1 =	rddreg [dreg:$0x6];
	[sflag:s18] =	ssyncadd.s32 $0xFFFF8000;
	(pc) =	sbr.rel @p0 .LBB2_1-.Ltmp0, $4  }
0xdb: {  	[hbm4b:s1+s2] =	stream.linear.scatter [tilespmem:s0], [sflag:$0x2], $0x8000, $0x38;
	[tilespmem:$0x10080] =	vst v63  }
0xdc: {  	_ =	swait.ge [sflag:s8], $0x8000  }
0xdd: {  	[sflag:s8] =	ssyncset.done $0x0  }
0xde: {  	s7 =	sadd.s32 $0xFFFFFFFF, s7;
	[sflag:s8] =	ssyncadd.s32 $0xFFFF8000  }
0xdf: {  	_ =	sfence.sel $0x180000  }
0xe0: {  	[bflag:$0x0] =	sbarrier.arrive $0xFFFF  }
0xe1: {  	_ =	strace $0x9000004D  }
0xe2: {  	s0 =	stileid.u32;
	[bflag:$0x2] =	sbarrier.arrive $0xFFFF  }
0xe3: {  	p0 =	sne.s32 s0, $0x0;
	s0 =	rddreg [dreg:$0x1]  }
0xe4: {  	s0 =	sadd.s32 @!p0 $0x100000, s0  }
0xe5: {  	[sflag:s0] =	ssyncadd.tile.s32 @!p0 $0x1;
	_ =	shalt  }
.Lfunc_end2:
_tile_overlayer_lowered:
.L_overlay_start_2:
0xe6: {  	(tag) =	ssettag $0x2  }
0xe7: {  	s0 =	rddreg [dreg:$0x0];
	s2 =	stileid.u32  }
0xe8: {  	s1 =	rddreg [dreg:$0x1];
	p0 =	sne.s32 s2, $0x0  }
0xe9: {  	s3 =	rddreg [dreg:$0x2];
	[bflag:$0x3] =	sbarrier.arrive $0xFFFF;
	s2 =	simm.s32 @!p0 $0x1C02  }
0xea: {  	[timem:s3], [sflag:s2] =	dma.local @!p0 [hbm:s0], s1  }
0xeb: {  	s0 =	simm.s32 @!p0 $0x2  }
0xec: {  	_ =	swait.ge @!p0 [sflag:s0], s1  }
0xed: {  	s1 =	ssub.s32 @!p0 $0x0, s1;
	[sflag:s0] =	ssyncset.done @!p0 $0x0  }
0xee: {  	[sflag:s0] =	ssyncadd.s32 @!p0 s1  }
0xef: {  	[bflag:$0x3] =	sbarrier.arrive $0xFFFF  }
0xf0: {  	_ =	shalt  }

// kernel: kernel.9.cloned.1.call-start
scs
__scs_entry_jumppad:
0x0: {  	(pc) =	sbr.rel $0x88, $3  }
0x1: {  	(tag) =	ssettag $0x0;
	lr =	simm.s32 $0x1  }
0x2: {  	[smem:$0x3F9C] =	sst lr;
	_ =	strace $0xD0000000  }
0x3: {  	_ = 	snop  }
0x4: {  	_ = 	snop  }
0x5: {  	_ = 	snop  }
0x6: {  	_ = 	snop  }
0x7: {  	_ = 	snop  }
__scs_overlays_trampoline_lowered:
0x8: {  	[smem:$0x3FAB] =	sst s0  }
0x9: {  	[smem:$0x3FAC] =	sst s1  }
0xa: {  	[smem:$0x3FAD] =	sst s2  }
0xb: {  	[smem:$0x3FAE] =	sst s3  }
0xc: {  	[smem:$0x3FAF] =	sst s4  }
0xd: {  	[smem:$0x3FB0] =	sst s5  }
0xe: {  	[smem:$0x3FB1] =	sst s6  }
0xf: {  	[smem:$0x3FB2] =	sst s7  }
0x10: {  	[smem:$0x3FB3] =	sst s8  }
0x11: {  	[smem:$0x3FB4] =	sst s9;
	s0 =	simm.s32 @!p0 $0x0  }
0x12: {  	s1 =	sld [smem:$0x3F9A];
	s0 =	simm.s32 @p0 $0x1  }
0x13: {  	[smem:$0x3FB5] =	sst s0;
	s0 =	simm.s32 @!p1 $0x0  }
0x14: {  	s2 =	sld [smem:$0x3F99];
	s0 =	simm.s32 @p1 $0x1  }
0x15: {  	[smem:$0x3FB6] =	sst s0;
	s0 =	simm.s32 @!p2 $0x0  }
0x16: {  	s3 =	sld [smem:$0x3FDB];
	s0 =	simm.s32 @p2 $0x1  }
0x17: {  	s4 =	simm.s32 $0x1BF5;
	[smem:$0x3FB8] =	sst s0  }
0x18: {  	s0 =	sld [smem:$0x3F9B];
	_ =	swait.ge [sflag:s4], $0x0  }
0x19: {  	s7 =	sld [smem:$0x3F9C]  }
0x1a: {  	s8 =	sadd.s32 $0xFFFFE003, lr  }
0x1b: {  	s9 =	sadd.s32 $0xFFFFFEF7, lr;
	s5 =	simm.s32 $0xFFFFFFFF;
	p2 =	slt.u32 s8, $0xFFFFF086  }
0x1c: {  	p1 =	slt.u32 s9, $0xF7A;
	s5 =	simm.s32 @!p2 $0x0  }
0x1d: {  	s5 =	simm.s32 @p1 $0x1;
	p0 =	seq.s32 s7, s2  }
0x1e: {  	s7 =	smul.u32 @!p0 $0xF7A, s2;
	p2 =	seq.s32 @!p0 s5, $0x0  }
0x1f: {  	s9 =	smul.u32 $0xF7A, s1;
	s8 =	simm.s32 @!p0 $0x1BF5;
	p2 =	por !p2, p0  }
0x20: {  	[sflag:s8] =	ssyncset.s32 @!p0 $0xFFFFF086;
	s6 =	sadd.s32 @!p0 s3, s7;
	s7 =	simm.s32 @!p0 $0x108  }
0x21: {  	s3 =	sadd.s32 s3, s9;
	s6 =	sadd.s32 @!p0 $0x88, s6;
	s7 =	simm.s32 @p2 $0x1082  }
0x22: {  	[simem:s7], [sflag:s8] =	dma.local @!p0 [hbm:s6], $0xF7A  }
0x23: {  	s9 =	sor.u32 $0xD0000000, s2;
	s6 =	simm.s32 $0x108;
	_ =	swait.ge @!p0 [sflag:s8], $0x0  }
0x24: {  	s3 =	sadd.s32 $0x88, s3;
	s6 =	simm.s32 @!p1 $0x1082;
	[sflag:s4] =	ssyncset.s32 $0xFFFFF086  }
0x25: {  	[simem:s6], [sflag:s4] =	dma.local [hbm:s3], $0xF7A  }
0x26: {  	[smem:$0x3F9C] =	sst s1;
	(tag) =	ssettag s2;
	_ =	strace s9  }
0x27: {  	s1 =	sld [smem:$0x3FAC]  }
0x28: {  	s2 =	sld [smem:$0x3FAD]  }
0x29: {  	s4 =	sld [smem:$0x3FAF]  }
0x2a: {  	p0 =	seq.s32 s5, $0x0;
	s5 =	sld [smem:$0x3FB0]  }
0x2b: {  	s6 =	sld [smem:$0x3FB1]  }
0x2c: {  	s7 =	sld [smem:$0x3FB2]  }
0x2d: {  	s3 =	simm.s32 $0x108;
	s8 =	sld [smem:$0x3FB3]  }
0x2e: {  	s3 =	simm.s32 @!p0 $0x1082;
	s9 =	sld [smem:$0x3FB4]  }
0x2f: {  	lr =	sadd.s32 s0, s3;
	s0 =	sld [smem:$0x3FAB]  }
0x30: {  	s3 =	sld [smem:$0x3FAE]  }
0x31: {  	[smem:$0x3FB7] =	sst s10  }
0x32: {  	s10 =	sld [smem:$0x3FB5];
	_ =	sdelay $0x3  }
0x33: {  	p0 =	seq.s32 s10, $0x1;
	s10 =	sld [smem:$0x3FB7];
	_ =	sdelay $0x3  }
0x34: {  	[smem:$0x3FB7] =	sst s10  }
0x35: {  	s10 =	sld [smem:$0x3FB6];
	_ =	sdelay $0x3  }
0x36: {  	p1 =	seq.s32 s10, $0x1;
	s10 =	sld [smem:$0x3FB7];
	_ =	sdelay $0x3  }
0x37: {  	[smem:$0x3FB7] =	sst s10  }
0x38: {  	s10 =	sld [smem:$0x3FB8]  }
0x39: {  	_ = 	snop;
	(pc) =	sbr.ind lr, $3  }
0x3a: {  	_ = 	snop  }
0x3b: {  	_ = 	snop  }
0x3c: {  	p2 =	seq.s32 s10, $0x1;
	s10 =	sld [smem:$0x3FB7]  }
0x3d: {  	_ =	shalt  }
0x3e: {  	_ =	shalt  }
0x3f: {  	_ =	shalt  }
0x40: {  	_ =	shalt  }
0x41: {  	_ =	shalt  }
0x42: {  	_ =	shalt  }
0x43: {  	_ =	shalt  }
0x44: {  	_ =	shalt  }
0x45: {  	_ =	shalt  }
0x46: {  	_ =	shalt  }
0x47: {  	_ =	shalt  }
0x48: {  	_ =	shalt  }
0x49: {  	_ =	shalt  }
0x4a: {  	_ =	shalt  }
0x4b: {  	_ =	shalt  }
0x4c: {  	_ =	shalt  }
0x4d: {  	_ =	shalt  }
0x4e: {  	_ =	shalt  }
0x4f: {  	_ =	shalt  }
0x50: {  	_ =	shalt  }
0x51: {  	_ =	shalt  }
0x52: {  	_ =	shalt  }
0x53: {  	_ =	shalt  }
0x54: {  	_ =	shalt  }
0x55: {  	_ =	shalt  }
0x56: {  	_ =	shalt  }
0x57: {  	_ =	shalt  }
0x58: {  	_ =	shalt  }
0x59: {  	_ =	shalt  }
0x5a: {  	_ =	shalt  }
0x5b: {  	_ =	shalt  }
0x5c: {  	_ =	shalt  }
0x5d: {  	_ =	shalt  }
0x5e: {  	_ =	shalt  }
0x5f: {  	_ =	shalt  }
0x60: {  	_ =	shalt  }
0x61: {  	_ =	shalt  }
0x62: {  	_ =	shalt  }
0x63: {  	_ =	shalt  }
0x64: {  	_ =	shalt  }
0x65: {  	_ =	shalt  }
0x66: {  	_ =	shalt  }
0x67: {  	_ =	shalt  }
0x68: {  	_ =	shalt  }
0x69: {  	_ =	shalt  }
0x6a: {  	_ =	shalt  }
0x6b: {  	_ =	shalt  }
0x6c: {  	_ =	shalt  }
0x6d: {  	_ =	shalt  }
0x6e: {  	_ =	shalt  }
0x6f: {  	_ =	shalt  }
0x70: {  	_ =	shalt  }
0x71: {  	_ =	shalt  }
0x72: {  	_ =	shalt  }
0x73: {  	_ =	shalt  }
0x74: {  	_ =	shalt  }
0x75: {  	_ =	shalt  }
0x76: {  	_ =	shalt  }
0x77: {  	_ =	shalt  }
0x78: {  	_ =	shalt  }
0x79: {  	_ =	shalt  }
0x7a: {  	_ =	shalt  }
0x7b: {  	_ =	shalt  }
0x7c: {  	_ =	shalt  }
0x7d: {  	_ =	shalt  }
0x7e: {  	_ =	shalt  }
0x7f: {  	_ =	shalt  }
0x80: {  	_ =	shalt  }
0x81: {  	_ =	shalt  }
0x82: {  	_ =	shalt  }
0x83: {  	_ =	shalt  }
0x84: {  	_ =	shalt  }
0x85: {  	_ =	shalt  }
0x86: {  	_ =	shalt  }
0x87: {  	_ =	shalt  }
.Lfunc_end0:
.L_simem_size_0:
called_computation_lowered:
.L_overlay_start_0:
0x88: {  	s2 =	sld [smem:$0x3FD9]  }
0x89: {  	s3 =	sld [smem:$0x3FFE];
	_ =	sdelay $0x1  }
0x8a: {  	s1 =	srdreg.scid  }
0x8b: {  	s0 =	sand.u32 $0x1, s1  }
0x8c: {  	s17 =	sshll.u32 s0, $0xA;
	s2 =	sadd.s32 s3, s2  }
0x8d: {  	s2 =	sadd.s32 s2, s17  }
0x8e: {  	[smem:$0x3FC3] =	sst s2  }
0x8f: {  	_ = 	snop  }
0x90: {  	s2 =	sld [smem:$0x3FD0];
	(tm) =	ssettm $0x1  }
0x91: {  	s18 =	sld [smem:$0x3FFB];
	_ =	sdelay $0x3  }
0x92: {  	_ =	strace s18  }
0x93: {  	s3 =	sld [smem:$0x3FFC];
	_ =	sdelay $0x3  }
0x94: {  	_ =	strace s3  }
0x95: {  	s3 =	sld [smem:$0x3FFD];
	_ =	sdelay $0x3  }
0x96: {  	_ =	strace s3  }
0x97: {  	_ =	strace $0x8FFFFFFF  }
0x98: {  	s19 =	sld [smem:$0x3FDB];
	_ =	sdelay $0x1  }
0x99: {  	s4 =	simm.s32 $_scs_section_size  }
0x9a: {  	s5 =	simm.s32 $_size__tile_overlayer_lowered;
	s6 =	simm.s32 $_tile_overlayer_lowered  }
0x9b: {  	s22 =	simm.s32 $0x1BFF;
	s21 =	sshll.u32 s6, $0x1;
	s3 =	sadd.s32 s4, s19  }
0x9c: {  	s7 =	simm.s32 $0x0;
	s20 =	sshll.u32 s5, $0x1;
	s5 =	sadd.s32 s21, s3  }
0x9d: {  	[timem:s7], [sflag:s22] =	dma.local [hbm:s5], s20  }
0x9e: {  	_ =	swait.ge [sflag:s22], s20  }
0x9f: {  	s4 =	ssub.s32 $0x0, s20;
	[sflag:s22] =	ssyncset.done $0x0  }
0xa0: {  	[sflag:s22] =	ssyncadd.s32 s4;
	_ =	sdelay $0x1  }
0xa1: {  	s23 =	simm.s32 $0x1B8B  }
0xa2: {  	_ =	swait.ge [sflag:s23], $0x1  }
0xa3: {  	[sflag:s23] =	ssyncset.done $0x0  }
0xa4: {  	s25 =	simm.s32 $0x1B8E;
	s24 =	sld [smem:$0x3FFE];
	[sflag:s23] =	ssyncadd.s32 $0xFFFFFFFF  }
0xa5: {  	s26 =	simm.s32 $execute0_lowered;
	[smem:$0x3FD2] =	sst s25  }
0xa6: {  	s5 =	sshll.u32 s26, $0x1;
	_ =	strace $0x80000046;
	[dreg:$0x1] =	wrdreg $0xFFFFFFFF  }
0xa7: {  	s28 =	simm.s32 $_size_execute0_lowered;
	s3 =	sadd.s32 s3, s5;
	[dreg:$0x0] =	wrdreg $0x0  }
0xa8: {  	s5 =	sshll.u32 s28, $0x1;
	[dreg:$0x2] =	wrdreg s3  }
0xa9: {  	[dreg:$0x3] =	wrdreg s5  }
0xaa: {  	[dreg:$0x4] =	wrdreg $0xC0  }
0xab: {  	_ =	task [dreg:s7], $0x5FFFF  }
0xac: {  	[dreg:$0x1] =	wrdreg $0xFFFFFFFF  }
0xad: {  	[dreg:$0x0] =	wrdreg $0x60  }
0xae: {  	[dreg:$0x2] =	wrdreg s24  }
0xaf: {  	[dreg:$0x3] =	wrdreg s2  }
0xb0: {  	[dreg:$0x4] =	wrdreg $0x9  }
0xb1: {  	_ =	task.clear_ibuf [dreg:s7], $0x5FFFF;
	_ =	strace $0x90000046  }
0xb2: {  	s29 =	simm.s32 $0x9;
	_ =	strace $0x80000048  }
0xb3: {  	_ =	swait.ge [sflag:s29], $0x1  }
0xb4: {  	[sflag:s29] =	ssyncadd.s32 $0xFFFFFFFF  }
0xb5: {  	_ =	strace $0x90000048  }
0xb6: {  	_ =	sfence  }
0xb7: {  	s30 =	sld [smem:$0x0];
	_ =	sdelay $0x2  }
0xb8: {  	s31 =	sshll.u32 s1, $0xD;
	s1 =	sshrl.u32 s1, $0x2  }
0xb9: {  	s3 =	sand.u32 $0x4000, s31;
	s1 =	sadd.s32 s1, s30  }
0xba: {  	s0 =	sor.u32 s3, s0;
	s1 =	sshll.u32 s1, $0x11  }
0xbb: {  	s0 =	sor.u32 s1, s0  }
0xbc: {  	s0 =	sadd.s32 $0x8F2B, s0  }
0xbd: {  	[sflag:s0] =	ssyncadd.remote.s32 $0x1  }
0xbe: {  	_ =	sfence.sel $0xFFFF  }
0xbf: {  	[dreg:$0x0] =	wrdreg $0xFFFFFFFF;
	(pc) =	sbr.abs _section_cstart, $3  }
0xc0: {  	[dreg:$0x1] =	wrdreg $0xFFFFFFFF  }
0xc1: {  	_ =	task.clear_ibuf [dreg:s7], $0x2FFFF;
	_ =	strace $0x9FFFFFFF  }
0xc2: {  	(tm) =	ssettm $0x7FFFFFFF  }
0xc3: {  	_ =	shalt  }
tec
execute0_lowered:
.L_overlay_start_1:
0x0: {  	(tag) =	ssettag $0x1  }
0x1: {  	s0 =	srdreg.scid  }
0x2: {  	s3 =	sand.u32 $0x1, s0;
	s0 =	stileid.u32  }
0x3: {  	s4 =	sshll.u32 s0, $0x1;
	s6 =	ssub.s32 $0x0, s3  }
0x4: {  	p0 =	sne.s32 s4, s6  }
.Ltmp0:
0x5: {  	_ = 	snop;
	(pc) =	sbr.rel @p0 .LBB2_7-.Ltmp0, $4  }
0x6: {  	_ = 	snop  }
0x7: {  	s5 =	rddreg [dreg:$0x0]  }
0x8: {  	s2 =	rddreg [dreg:$0x1]  }
0x9: {  	s1 =	rddreg [dreg:$0x2];
	_ =	strace $0x80000047  }
0xa: {  	s4 =	ssub.s32 $0x2, s3  }
0xb: {  	s3 =	sadd.s32 $0x1200, s5;
	s7 =	simm.s32 $0x0;
	s8 =	simm.s32 $0x1  }
0xc: {  	s9 =	simm.s32 $0x1000;
	s10 =	simm.s32 $0x2000;
	s6 =	sshrl.u32 s4, $0x1  }
0xd: {  	v0 =	vlaneseq.u32;
	s11 =	simm.s32 $0x3600;
	s12 =	simm.s32 $0x0;
	s6 =	ssub.s32 s4, s6  }
0xe: {  	v1 =	vimm.f32 $0.0e+00;
	v2 =	vshrl.u32 v0, $0x1;
	s4 =	sadd.s32 $0x1400, s5;
	s5 =	sadd.s32 $0x1600, s5;
	s6 =	smax.u32 s6, $0x1  }
.LBB2_2:
0xf: {  	[tilespmem:s7], [sflag:$0x1] =	stream.linear.gather [hbm4b:s3+s7], $0x1000, $0x38;
	[tilespmem:$0x4C00] =	vst v63  }
0x10: {  	_ =	swait.ge [sflag:s8], $0x1000  }
0x11: {  	[sflag:s8] =	ssyncset.done $0x0  }
0x12: {  	[sflag:s8] =	ssyncadd.s32 $0xFFFFF000  }
0x13: {  	[tilespmem:s9], [sflag:$0x1] =	stream.linear.gather [hbm4b:s4+s7], $0x1000, $0x38;
	[tilespmem:$0x4C00] =	vst v63  }
0x14: {  	_ =	swait.ge [sflag:s8], $0x1000  }
0x15: {  	s13 =	simm.s32 $0x3600;
	[sflag:s8] =	ssyncset.done $0x0  }
0x16: {  	s14 =	simm.s32 $0x2000;
	s15 =	simm.s32 $0x0;
	[sflag:s8] =	ssyncadd.s32 $0xFFFFF000  }
.LBB2_3:
0x17: {  	p0 =	sne.s32 s15, $0x15F0  }
.Ltmp1:
0x18: {  	_ = 	snop;
	(pc) =	sbr.rel @p0 .LBB2_3-.Ltmp1, $4  }
0x19: {  	v3 =	vor.u32 s15, v0  }
0x1a: {  	v3 =	vand.u32 $0x7FF, v3  }
0x1b: {  	[tilespmem:s14+$0x0] =	vst v3  }
0x1c: {  	s15 =	sadd.s32 $0x10, s15;
	s14 =	sadd.s32 $0x10, s14;
	[tilespmem:s13+$0x0] =	vst v1;
	s13 =	sadd.s32 $0x10, s13  }
0x1d: {  	s14 =	simm.s32 $0x0  }
0x1e: {  	v3 =	vld [tilespmem:s14+$0x0];
	_ =	sdelay $0x2  }
0x1f: {  	s13 =	simm.s32 $0x1000  }
0x20: {  	v4 =	vld [tilespmem:s13+$0x0];
	_ =	sdelay $0x2  }
0x21: {  	v5 =	vor.u32 s14, v2  }
0x22: {  	[tilespmem:v3+s10+$0x0] =	vst.idx.msk $0xffff, v5  }
0x23: {  	s15 =	simm.s32 $0x10;
	[tilespmem:v3+s11+$0x0] =	vst.idx.msk $0xffff, v4  }
0x24: {  	v3 =	vld [tilespmem:s15+$0x0]  }
0x25: {  	s16 =	simm.s32 $0x10;
	s14 =	simm.s32 $0x8  }
.LBB2_5:
0x26: {  	p0 =	sne.s32 s16, $0x7F8  }
0x27: {  	s13 =	sadd.s32 $0x10, s13  }
0x28: {  	v4 =	vld [tilespmem:s13+$0x0];
	_ =	sdelay $0x2  }
.Ltmp2:
0x29: {  	v5 =	vor.u32 s14, v2;
	s14 =	smov.u32 s16;
	(pc) =	sbr.rel @p0 .LBB2_5-.Ltmp2, $4  }
0x2a: {  	[tilespmem:v3+s10+$0x0] =	vst.idx.msk $0xffff, v5  }
0x2b: {  	s15 =	sadd.s32 $0x10, s15;
	[tilespmem:v3+s11+$0x0] =	vst.idx.msk $0xffff, v4  }
0x2c: {  	v3 =	vld [tilespmem:s15+$0x0]  }
0x2d: {  	s16 =	sadd.s32 $0x8, s16  }
0x2e: {  	_ =	sdelay $0x1  }
0x2f: {  	s13 =	sadd.s32 $0x10, s13  }
0x30: {  	v4 =	vld [tilespmem:s13+$0x0];
	_ =	sdelay $0x2  }
0x31: {  	v5 =	vor.u32 s14, v2  }
0x32: {  	[tilespmem:v3+s10+$0x0] =	vst.idx.msk $0xffff, v5  }
0x33: {  	[tilespmem:v3+s11+$0x0] =	vst.idx.msk $0xffff, v4  }
0x34: {  	[hbm4b:s2+s7] =	stream.linear.scatter [tilespmem:s10], [sflag:$0x1], $0x1600, $0x38;
	[tilespmem:$0x4C00] =	vst v63  }
0x35: {  	s12 =	sadd.s32 $0x1, s12;
	_ =	swait.ge [sflag:s8], $0x1600  }
0x36: {  	p0 =	sne.s32 s12, s6;
	[sflag:s8] =	ssyncset.done $0x0  }
.Ltmp3:
0x37: {  	[sflag:s8] =	ssyncadd.s32 $0xFFFFEA00;
	(pc) =	sbr.rel @p0 .LBB2_2-.Ltmp3, $4  }
0x38: {  	[hbm4b:s5+s7] =	stream.linear.scatter [tilespmem:s11], [sflag:$0x1], $0x1600, $0x38;
	[tilespmem:$0x4C00] =	vst v63  }
0x39: {  	_ =	swait.ge [sflag:s8], $0x1600  }
0x3a: {  	[sflag:s8] =	ssyncset.done $0x0  }
0x3b: {  	[sflag:s8] =	ssyncadd.s32 $0xFFFFEA00  }
.LBB2_7:
0x3c: {  	_ =	sfence.sel $0x180000  }
0x3d: {  	[bflag:$0x0] =	sbarrier.arrive $0xFFFF  }
0x3e: {  	p0 =	sne.s32 s0, $0x0;
	_ =	strace $0x90000047  }
0x3f: {  	s0 =	sadd.s32 @!p0 $0x100000, s1;
	[bflag:$0x2] =	sbarrier.arrive $0xFFFF  }
0x40: {  	[sflag:s0] =	ssyncadd.tile.s32 @!p0 $0x1;
	_ =	shalt  }
.Lfunc_end2:
_tile_overlayer_lowered:
.L_overlay_start_2:
0x41: {  	(tag) =	ssettag $0x2  }
0x42: {  	s0 =	rddreg [dreg:$0x0];
	s2 =	stileid.u32  }
0x43: {  	s1 =	rddreg [dreg:$0x1];
	p0 =	sne.s32 s2, $0x0  }
0x44: {  	s3 =	rddreg [dreg:$0x2];
	[bflag:$0x3] =	sbarrier.arrive $0xFFFF;
	s2 =	simm.s32 @!p0 $0x1C01  }
0x45: {  	[timem:s3], [sflag:s2] =	dma.local @!p0 [hbm:s0], s1  }
0x46: {  	s0 =	simm.s32 @!p0 $0x1  }
0x47: {  	_ =	swait.ge @!p0 [sflag:s0], s1  }
0x48: {  	s1 =	ssub.s32 @!p0 $0x0, s1;
	[sflag:s0] =	ssyncset.done @!p0 $0x0  }
0x49: {  	[sflag:s0] =	ssyncadd.s32 @!p0 s1  }
0x4a: {  	[bflag:$0x3] =	sbarrier.arrive $0xFFFF  }
0x4b: {  	_ =	shalt  }

</sc_bundles>
